<compile_context>
chip_gen: v7x
topology: tpu7x:2x2x1
jax: 0.10.2.dev20260603
libtpu: 0.0.44.dev20260713+nightly
codegen_flags: <defaults>
</compile_context>

<pallas_src>
import functools

import jax
import jax.numpy as jnp
from jax.experimental import pallas as pl
from jax.experimental.pallas import tpu as pltpu
from jax.experimental.pallas import tpu_sc as plsc

_B = 1024
_D = 64
_N = 100000
_K = 3
_L = 2
_NUM_LABELS = 12
_RATIO = 0.5
_SCALE = 4.0

_C = 2048
_NSTEPS = (_N + _C - 1) // _C
_NPAD = _NSTEPS * _C
_G = 128

_NEG = float("-inf")
_BIGI = 2**30



def _knn_body(q_ref, db_ref, scores_ref, idx_ref, qn_s, v0, v1, v2, i0, i1, i2):
    t = pl.program_id(0)

    @pl.when(t == 0)
    def _init():
        q = q_ref[...]
        qn_s[...] = q / jnp.sqrt(jnp.sum(q * q, axis=1, keepdims=True))
        for vp in (v0, v1, v2):
            vp[...] = jnp.full((_B, _G), _NEG, jnp.float32)
        for ip in (i0, i1, i2):
            ip[...] = jnp.zeros((_B, _G), jnp.int32)
        scores_ref[...] = jnp.zeros((_B, _K), jnp.float32)
        idx_ref[...] = jnp.zeros((_B, _K), jnp.int32)

    f = db_ref[:, :_D]
    fn = f / jnp.sqrt(jnp.sum(f * f, axis=1, keepdims=True))
    s_full = jax.lax.dot_general(
        qn_s[...], fn, (((1,), (1,)), ((), ())),
        preferred_element_type=jnp.float32)

    lane = jax.lax.broadcasted_iota(jnp.int32, (_B, _G), 1)
    V0, V1, V2 = v0[...], v1[...], v2[...]
    I0, I1, I2 = i0[...], i1[...], i2[...]
    for qq in range(_C // _G):
        s = s_full[:, qq * _G:(qq + 1) * _G]
        cc = t * (_C // _G) + qq
        s = jnp.where(lane < _N - cc * _G, s, _NEG)
        gt0 = s > V0
        gt1 = s > V1
        gt2 = s > V2
        V2 = jnp.where(gt1, V1, jnp.where(gt2, s, V2))
        I2 = jnp.where(gt1, I1, jnp.where(gt2, cc, I2))
        V1 = jnp.where(gt0, V0, jnp.where(gt1, s, V1))
        I1 = jnp.where(gt0, I0, jnp.where(gt1, cc, I1))
        V0 = jnp.where(gt0, s, V0)
        I0 = jnp.where(gt0, cc, I0)
    v0[...], v1[...], v2[...] = V0, V1, V2
    i0[...], i1[...], i2[...] = I0, I1, I2

    @pl.when(t == _NSTEPS - 1)
    def _final():
        allv = jnp.concatenate([v0[...], v1[...], v2[...]], axis=1)
        allc = jnp.concatenate([i0[...], i1[...], i2[...]], axis=1)
        lane3 = jax.lax.broadcasted_iota(jnp.int32, (_B, 3 * _G), 1) & (_G - 1)
        alli = allc * _G + lane3
        av, ai = allv, alli
        for j in range(_K):
            m = jnp.max(av, axis=1, keepdims=True)
            hit = av == m
            cand = jnp.min(jnp.where(hit, ai, _BIGI), axis=1, keepdims=True)
            scores_ref[:, j:j + 1] = m
            idx_ref[:, j:j + 1] = cand
            av = jnp.where(hit & (ai == cand), _NEG, av)


def _knn_call(queries, database):
    return pl.pallas_call(
        _knn_body,
        grid=(_NSTEPS,),
        in_specs=[
            pl.BlockSpec((_B, _D), lambda t: (0, 0)),
            pl.BlockSpec((_C, _D + 1), lambda t: (t, 0)),
        ],
        out_specs=[
            pl.BlockSpec((_B, _K), lambda t: (0, 0)),
            pl.BlockSpec((_B, _K), lambda t: (0, 0)),
        ],
        out_shape=[
            jax.ShapeDtypeStruct((_B, _K), jnp.float32),
            jax.ShapeDtypeStruct((_B, _K), jnp.int32),
        ],
        scratch_shapes=[
            pltpu.VMEM((_B, _D), jnp.float32),
            pltpu.VMEM((_B, _G), jnp.float32),
            pltpu.VMEM((_B, _G), jnp.float32),
            pltpu.VMEM((_B, _G), jnp.float32),
            pltpu.VMEM((_B, _G), jnp.int32),
            pltpu.VMEM((_B, _G), jnp.int32),
            pltpu.VMEM((_B, _G), jnp.int32),
        ],
    )(queries, database)



_NW = 32
_BPW = (_B * _K) // _NW


def _gather_body(table_hbm, idx_hbm, rows_out, idx_v, rows_v, sem):
    wid = jax.lax.axis_index("s") * 2 + jax.lax.axis_index("c")
    base = wid * _BPW
    pltpu.sync_copy(idx_hbm.at[pl.ds(base, _BPW)], idx_v)
    pltpu.async_copy(table_hbm.at[idx_v], rows_v, sem).wait()
    pltpu.sync_copy(rows_v, rows_out.at[pl.ds(base, _BPW)])


def _gather_call(table, idx_flat):
    fn = pl.kernel(
        _gather_body,
        mesh=plsc.VectorSubcoreMesh(core_axis_name="c", subcore_axis_name="s"),
        out_type=jax.ShapeDtypeStruct((_B * _K, 128), jnp.float32),
        scratch_types=[
            pltpu.VMEM((_BPW,), jnp.int32),
            pltpu.VMEM((_BPW, 128), jnp.float32),
            pltpu.SemaphoreType.DMA,
        ],
    )
    return fn(table, idx_flat)



def _proj(x, w, b):
    y = jax.lax.dot_general(x, w, (((1,), (1,)), ((), ())),
                            preferred_element_type=jnp.float32)
    return y + b.reshape(1, -1)


def _mea_body(q_ref, rows_ref, sc_ref,
              WQ_ref, bQ_ref, WK_ref, bK_ref, WV_ref, bV_ref, WO_ref, bO_ref,
              dW_ref, db_ref, oW_ref, ob_ref, out_ref):
    q = q_ref[...]
    rows = rows_ref[:, :_D]
    lab = rows_ref[:, _D:_D + 1]
    sc = sc_ref[...]

    rn = rows / jnp.sqrt(jnp.sum(rows * rows, axis=1, keepdims=True))
    labi = lab.astype(jnp.int32)
    lane = jax.lax.broadcasted_iota(jnp.int32, (_B * _K, _D), 1)
    sc_km = jnp.concatenate([sc[:, k:k + 1] for k in range(_K)], axis=0)
    cls = jnp.where(lane == labi, sc_km, jnp.float32(0.0))
    hx = jnp.concatenate([q, q, q], axis=0)

    T = [cls, hx, rn]
    for i in range(_L):
        Q = [_proj(T[j], WQ_ref[i], bQ_ref[i]) for j in range(3)]
        Kt = [_proj(T[j], WK_ref[i], bK_ref[i]) for j in range(3)]
        V = [_proj(T[j], WV_ref[i], bV_ref[i]) for j in range(3)]
        newT = []
        for a in range(3):
            att = [jnp.sum(Q[a] * Kt[b], axis=1, keepdims=True) / _SCALE
                   for b in range(3)]
            m = jnp.maximum(jnp.maximum(att[0], att[1]), att[2])
            e = [jnp.exp(x - m) for x in att]
            den = e[0] + e[1] + e[2]
            o = (e[0] * V[0] + e[1] * V[1] + e[2] * V[2]) / den
            newT.append(_proj(o, WO_ref[i], bO_ref[i]))
        T = newT

    x = jnp.tanh(_proj(T[0], dW_ref[...], db_ref[...]))
    logits = _proj(x, oW_ref[...], ob_ref[...])
    lm = (logits[0:_B] + logits[_B:2 * _B] + logits[2 * _B:3 * _B]) / 3.0

    lane12 = jax.lax.broadcasted_iota(jnp.int32, (_B, _NUM_LABELS), 1)
    oh = jnp.zeros((_B, _NUM_LABELS), jnp.float32)
    for k in range(_K):
        oh = oh + jnp.where(lane12 == labi[k * _B:(k + 1) * _B], 1.0, 0.0)
    retr = oh / jnp.sum(oh, axis=1, keepdims=True)

    out_ref[...] = lm * (1.0 - _RATIO) + retr * _RATIO


def _mea_call(queries, rows128, scores,
              WQ, bQ, WK, bK, WV, bV, WO, bO, dense_W, dense_b, out_W, out_b):
    return pl.pallas_call(
        _mea_body,
        out_shape=jax.ShapeDtypeStruct((_B, _NUM_LABELS), jnp.float32),
    )(queries, rows128, scores,
      WQ, bQ, WK, bK, WV, bV, WO, bO, dense_W, dense_b, out_W, out_b)


def kernel(queries, database, WQ, bQ, WK, bK, WV, bV, WO, bO,
           dense_W, dense_b, out_W, out_b):
    scores, idxs = _knn_call(queries, database)
    idx_km = idxs.T.reshape(-1)
    table = jnp.pad(database, ((0, 0), (0, 128 - (_D + 1))))
    rows128 = _gather_call(table, idx_km)
    return _mea_call(queries, rows128, scores,
                     WQ, bQ, WK, bK, WV, bV, WO, bO,
                     dense_W, dense_b, out_W, out_b)

# --- scband reference (transcript-rebuilt; emitter-appended) ---
"""Pipeline reference for scband-meatransformer-12678743458468 (READ-ONLY COPY).

The authoritative reference and input builder live on the scoring server;
editing this copy changes nothing except your own understanding.
"""

import jax, jax.numpy as jnp
import numpy as np

B = 1024
D = 64
N = 100000
K = 3
L = 2
NUM_LABELS = 12
HEADS = 4
RATIO = 0.5


def setup_inputs(seed: int = 0) -> dict:
    key = jax.random.key(seed)
    ks = jax.random.split(key, 20)
    queries = jax.random.normal(ks[0], (B, D), dtype=jnp.float32)
    feats = jax.random.normal(ks[1], (N, D), dtype=jnp.float32)
    labels = jax.random.randint(ks[2], (N,), 0, NUM_LABELS).astype(jnp.float32)
    database = jnp.concatenate([feats, labels[:, None]], axis=1)  # [N, D+1]
    s = 1.0 / np.sqrt(D)
    WQ = jax.random.normal(ks[3], (L, D, D), jnp.float32) * s
    bQ = jnp.zeros((L, D), jnp.float32)
    WK = jax.random.normal(ks[4], (L, D, D), jnp.float32) * s
    bK = jnp.zeros((L, D), jnp.float32)
    WV = jax.random.normal(ks[5], (L, D, D), jnp.float32) * s
    bV = jnp.zeros((L, D), jnp.float32)
    WO = jax.random.normal(ks[6], (L, D, D), jnp.float32) * s
    bO = jnp.zeros((L, D), jnp.float32)
    dense_W = jax.random.normal(ks[7], (D, D), jnp.float32) * s
    dense_b = jnp.zeros((D,), jnp.float32)
    out_W = jax.random.normal(ks[8], (NUM_LABELS, D), jnp.float32) * s
    out_b = jnp.zeros((NUM_LABELS,), jnp.float32)
    return {"queries": queries, "database": database, "WQ": WQ, "bQ": bQ,
            "WK": WK, "bK": bK, "WV": WV, "bV": bV, "WO": WO, "bO": bO,
            "dense_W": dense_W, "dense_b": dense_b, "out_W": out_W, "out_b": out_b}


def reference(queries, database, WQ, bQ, WK, bK, WV, bV, WO, bO,
              dense_W, dense_b, out_W, out_b):
    # SearchLayer init: normalize rows, transpose
    feats = database[:, :-1]
    feats = feats / jnp.linalg.norm(feats, axis=-1, keepdims=True)
    weight = feats.T  # [D, N]
    label = database[:, -1]  # [N]
    # SearchLayer.forward (brute-force kNN)
    qn = queries / jnp.linalg.norm(queries, axis=-1, keepdims=True)
    sims = qn @ weight  # [B, N]
    top_k_scores, top_k_indices = jax.lax.top_k(sims, K)  # [B, K]
    top_k_labels = label[top_k_indices]  # [B, K]
    top_k_seqs = weight.T[top_k_indices.reshape(-1)]  # [B*K, D]
    # Build H_cxr
    H_r = top_k_seqs[:, None, :]  # [B*K, 1, D]
    H_x = jnp.repeat(queries, K, axis=0)[:, None, :]  # [B*K, 1, D]
    CLS = jax.nn.one_hot(top_k_labels.astype(jnp.int32), D, dtype=jnp.float32)
    CLS = CLS.reshape(-1, 1, D)
    CLS = CLS * top_k_scores.reshape(-1, 1, 1)
    H = jnp.concatenate([CLS, H_x, H_r], axis=1)  # [B*K, 3, D]
    d_k = D // HEADS
    for i in range(L):
        Q = H @ WQ[i].T + bQ[i]
        Kt = H @ WK[i].T + bK[i]
        att = (Q @ jnp.swapaxes(Kt, -2, -1)) / np.sqrt(d_k)
        A = jax.nn.softmax(att, axis=-1)
        Hx = H[:, :2, :]
        Hr = H[:, 2:, :]
        Ax = A[:, :, :2]
        Ar = A[:, :, 2:]
        Vx = Hx @ WV[i].T + bV[i]
        Vr = Hr @ WV[i].T + bV[i]
        attn_out = Ax @ Vx + Ar @ Vr
        H = attn_out @ WO[i].T + bO[i]
    # Classification head
    x = H[:, 0, :]
    x = jnp.tanh(x @ dense_W.T + dense_b)
    x = x @ out_W.T + out_b  # [B*K, NUM_LABELS]
    logits = x.reshape(-1, K, NUM_LABELS).mean(axis=1)  # [B, NUM_LABELS]
    # Retrieval logits
    oh = jax.nn.one_hot(top_k_labels.astype(jnp.int32), NUM_LABELS, dtype=jnp.float32)
    agg = oh.sum(axis=1)
    retr = agg / agg.sum(axis=-1, keepdims=True)
    return logits * (1.0 - RATIO) + retr * RATIO

if __name__ == "__main__":
    import jax
    _d = setup_inputs()
    print(jax.jit(kernel)(*tuple(_d.values())))

</pallas_src>

<mosaic_0001>
#map = affine_map<(d0, d1) -> (0, 0)>
#map1 = affine_map<(d0, d1) -> (0)>
module attributes {stable_mosaic.version = 14 : i64} {
  func.func @_gather_body(%arg0: i32, %arg1: i32, %arg2: memref<100000x128xf32, #tpu.memory_space<hbm>>, %arg3: memref<3072xi32, #tpu.memory_space<hbm>>, %arg4: memref<3072x128xf32, #tpu.memory_space<hbm>>, %arg5: memref<96xi32, #tpu.memory_space<vmem>>, %arg6: memref<96x128xf32, #tpu.memory_space<vmem>>, %arg7: memref<!tpu.dma_semaphore, #tpu.memory_space<semaphore_mem>>) attributes {dimension_semantics = [#tpu.dimension_semantics<core_parallel>, #tpu.dimension_semantics<subcore_parallel>], iteration_bounds = array<i64: 2, 16>, scalar_prefetch = 0 : i64, scratch_operands = 3 : i64, tpu.core_type = #tpu.core_type<sc_vector_subcore>, window_params = [{transform_indices = #map}, {transform_indices = #map1}, {transform_indices = #map}]} {
    %mul3A = arith.constant 2 : i32
    %mul3A_0 = arith.muli %arg1, %mul3A : i32
    %add3A = arith.addi %mul3A_0, %arg0 : i32
    %mul3A_1 = arith.constant 96 : i32
    %mul3A_2 = arith.muli %add3A, %mul3A_1 : i32
    "tpu.region"() ({
      %run_scoped3A = tpu.sem_alloc : memref<!tpu.dma_semaphore, #tpu.memory_space<semaphore_mem>>
      %dma_start3A_7 = tpu.memref_slice %arg3[%mul3A_2] : memref<3072xi32, #tpu.memory_space<hbm>> -> memref<96xi32, #tpu.memory_space<hbm>>
      %dma_start3A_8 = tpu.memref_slice %arg3[%mul3A_2] : memref<3072xi32, #tpu.memory_space<hbm>> -> memref<96xi32, #tpu.memory_space<hbm>>
      tpu.enqueue_dma source(%dma_start3A_8 : memref<96xi32, #tpu.memory_space<hbm>>) target(%arg5 : memref<96xi32, #tpu.memory_space<vmem>>) target_semaphore(%run_scoped3A : memref<!tpu.dma_semaphore, #tpu.memory_space<semaphore_mem>>)
      %dma_wait3A_9 = tpu.memref_slice %arg3[%mul3A_2] : memref<3072xi32, #tpu.memory_space<hbm>> -> memref<96xi32, #tpu.memory_space<hbm>>
      %dma_wait3A_10 = tpu.memref_slice %arg3[%mul3A_2] : memref<3072xi32, #tpu.memory_space<hbm>> -> memref<96xi32, #tpu.memory_space<hbm>>
      tpu.wait_dma2 semaphore(%run_scoped3A : memref<!tpu.dma_semaphore, #tpu.memory_space<semaphore_mem>>) src(%dma_wait3A_10 : memref<96xi32, #tpu.memory_space<hbm>>) dst(%arg5 : memref<96xi32, #tpu.memory_space<vmem>>)
      tpu.yield
    }) : () -> ()
    %dma_start3A = arith.constant 0 : i32
    %dma_start3A_3 = arith.constant 0 : i32
    %dma_start3A_4 = tpu.memref_slice %arg2[%dma_start3A, %dma_start3A_3] : memref<100000x128xf32, #tpu.memory_space<hbm>> -> memref<100000x128xf32, #tpu.memory_space<hbm>>
    tpu.enqueue_indirect_dma source(%dma_start3A_4 : memref<100000x128xf32, #tpu.memory_space<hbm>>) target(%arg6 : memref<96x128xf32, #tpu.memory_space<vmem>>) offsets(%arg5 : memref<96xi32, #tpu.memory_space<vmem>>) semaphore(%arg7 : memref<!tpu.dma_semaphore, #tpu.memory_space<semaphore_mem>>)
    %dma_wait3A = arith.constant 0 : i32
    %dma_wait3A_5 = arith.constant 0 : i32
    %dma_wait3A_6 = tpu.memref_slice %arg2[%dma_wait3A, %dma_wait3A_5] : memref<100000x128xf32, #tpu.memory_space<hbm>> -> memref<100000x128xf32, #tpu.memory_space<hbm>>
    tpu.wait_indirect_dma semaphore(%arg7 : memref<!tpu.dma_semaphore, #tpu.memory_space<semaphore_mem>>) src(%dma_wait3A_6 : memref<100000x128xf32, #tpu.memory_space<hbm>>) dst(%arg6 : memref<96x128xf32, #tpu.memory_space<vmem>>)
    "tpu.region"() ({
      %run_scoped3A = tpu.sem_alloc : memref<!tpu.dma_semaphore, #tpu.memory_space<semaphore_mem>>
      %dma_start3A_7 = arith.constant 0 : i32
      %dma_start3A_8 = tpu.memref_slice %arg4[%mul3A_2, %dma_start3A_7] : memref<3072x128xf32, #tpu.memory_space<hbm>> -> memref<96x128xf32, #tpu.memory_space<hbm>>
      %dma_start3A_9 = arith.constant 0 : i32
      %dma_start3A_10 = tpu.memref_slice %arg4[%mul3A_2, %dma_start3A_9] : memref<3072x128xf32, #tpu.memory_space<hbm>> -> memref<96x128xf32, #tpu.memory_space<hbm>>
      tpu.enqueue_dma source(%arg6 : memref<96x128xf32, #tpu.memory_space<vmem>>) target(%dma_start3A_10 : memref<96x128xf32, #tpu.memory_space<hbm>>) target_semaphore(%run_scoped3A : memref<!tpu.dma_semaphore, #tpu.memory_space<semaphore_mem>>)
      %dma_wait3A_11 = arith.constant 0 : i32
      %dma_wait3A_12 = tpu.memref_slice %arg4[%mul3A_2, %dma_wait3A_11] : memref<3072x128xf32, #tpu.memory_space<hbm>> -> memref<96x128xf32, #tpu.memory_space<hbm>>
      %dma_wait3A_13 = arith.constant 0 : i32
      %dma_wait3A_14 = tpu.memref_slice %arg4[%mul3A_2, %dma_wait3A_13] : memref<3072x128xf32, #tpu.memory_space<hbm>> -> memref<96x128xf32, #tpu.memory_space<hbm>>
      tpu.wait_dma2 semaphore(%run_scoped3A : memref<!tpu.dma_semaphore, #tpu.memory_space<semaphore_mem>>) src(%arg6 : memref<96x128xf32, #tpu.memory_space<vmem>>) dst(%dma_wait3A_14 : memref<96x128xf32, #tpu.memory_space<hbm>>)
      tpu.yield
    }) : () -> ()
    return
  }
}

module attributes {stable_mosaic.version = 14 : i64} {
  func.func @_knn_body(%arg0: i32, %arg1: memref<1024x64xf32, #tpu.memory_space<vmem>>, %arg2: memref<2048x65xf32, #tpu.memory_space<vmem>>, %arg3: memref<1024x3xf32, #tpu.memory_space<vmem>>, %arg4: memref<1024x3xi32, #tpu.memory_space<vmem>>, %arg5: memref<1024x64xf32, #tpu.memory_space<vmem>>, %arg6: memref<1024x128xf32, #tpu.memory_space<vmem>>, %arg7: memref<1024x128xf32, #tpu.memory_space<vmem>>, %arg8: memref<1024x128xf32, #tpu.memory_space<vmem>>, %arg9: memref<1024x128xi32, #tpu.memory_space<vmem>>, %arg10: memref<1024x128xi32, #tpu.memory_space<vmem>>, %arg11: memref<1024x128xi32, #tpu.memory_space<vmem>>) attributes {dimension_semantics = [#tpu.dimension_semantics<arbitrary>], iteration_bounds = array<i64: 49>, scalar_prefetch = 0 : i64, scratch_operands = 7 : i64, tpu.core_type = #tpu.core_type<tc>, window_params = [{pipeline_mode = #tpu.pipeline_mode<synchronous>, transform_indices = @transform_0, window_bounds = array<i64: 1024, 64>}, {transform_indices = @transform_1, window_bounds = array<i64: 2048, 65>}, {pipeline_mode = #tpu.pipeline_mode<synchronous>, transform_indices = @transform_2, window_bounds = array<i64: 1024, 3>}, {pipeline_mode = #tpu.pipeline_mode<synchronous>, transform_indices = @transform_3, window_bounds = array<i64: 1024, 3>}]} {
    %eq3A = arith.constant 0 : i32
    %eq3A_0 = arith.cmpi eq, %arg0, %eq3A : i32
    %convert_element_type3A = arith.extui %eq3A_0 : i1 to i32
    %cond3A = arith.constant 0 : i32
    %cond3A_1 = arith.cmpi ne, %convert_element_type3A, %cond3A : i32
    scf.if %cond3A_1 {
      %get3A_523 = arith.constant 0 : index
      %get3A_524 = arith.constant 0 : index
      %get3A_525 = vector.load %arg1[%get3A_523, %get3A_524] : memref<1024x64xf32, #tpu.memory_space<vmem>>, vector<1024x64xf32>
      %mul3A_526 = arith.mulf %get3A_525, %get3A_525 : vector<1024x64xf32>
      %reduce_sum3A_527 = arith.constant dense<0.000000e+00> : vector<1024xf32>
      %reduce_sum3A_528 = vector.multi_reduction <add>, %mul3A_526, %reduce_sum3A_527 [1] : vector<1024x64xf32> to vector<1024xf32>
      %broadcast_in_dim3A_529 = vector.shape_cast %reduce_sum3A_528 : vector<1024xf32> to vector<1024x1xf32>
      %sqrt3A_530 = math.sqrt %broadcast_in_dim3A_529 : vector<1024x1xf32>
      %div3A_531 = vector.broadcast %sqrt3A_530 : vector<1024x1xf32> to vector<1024x64xf32>
      %div3A_532 = arith.divf %get3A_525, %div3A_531 : vector<1024x64xf32>
      %swap3A_533 = arith.constant 0 : index
      %swap3A_534 = arith.constant 0 : index
      %swap3A_535 = vector.load %arg5[%swap3A_533, %swap3A_534] : memref<1024x64xf32, #tpu.memory_space<vmem>>, vector<1024x64xf32>
      tpu.vector_store %arg5[%swap3A_533, %swap3A_534], %div3A_532 {strides = array<i32>} : memref<1024x64xf32, #tpu.memory_space<vmem>>, vector<1024x64xf32>,
      %broadcast_in_dim3A_536 = arith.constant 0xFF800000 : f32
      %broadcast_in_dim3A_537 = vector.broadcast %broadcast_in_dim3A_536 : f32 to vector<1024x128xf32>
      %swap3A_538 = arith.constant 0 : index
      %swap3A_539 = arith.constant 0 : index
      %swap3A_540 = vector.load %arg6[%swap3A_538, %swap3A_539] : memref<1024x128xf32, #tpu.memory_space<vmem>>, vector<1024x128xf32>
      tpu.vector_store %arg6[%swap3A_538, %swap3A_539], %broadcast_in_dim3A_537 {strides = array<i32>} : memref<1024x128xf32, #tpu.memory_space<vmem>>, vector<1024x128xf32>,
      %broadcast_in_dim3A_541 = arith.constant 0xFF800000 : f32
      %broadcast_in_dim3A_542 = vector.broadcast %broadcast_in_dim3A_541 : f32 to vector<1024x128xf32>
      %swap3A_543 = arith.constant 0 : index
      %swap3A_544 = arith.constant 0 : index
      %swap3A_545 = vector.load %arg7[%swap3A_543, %swap3A_544] : memref<1024x128xf32, #tpu.memory_space<vmem>>, vector<1024x128xf32>
      tpu.vector_store %arg7[%swap3A_543, %swap3A_544], %broadcast_in_dim3A_542 {strides = array<i32>} : memref<1024x128xf32, #tpu.memory_space<vmem>>, vector<1024x128xf32>,
      %broadcast_in_dim3A_546 = arith.constant 0xFF800000 : f32
      %broadcast_in_dim3A_547 = vector.broadcast %broadcast_in_dim3A_546 : f32 to vector<1024x128xf32>
      %swap3A_548 = arith.constant 0 : index
      %swap3A_549 = arith.constant 0 : index
      %swap3A_550 = vector.load %arg8[%swap3A_548, %swap3A_549] : memref<1024x128xf32, #tpu.memory_space<vmem>>, vector<1024x128xf32>
      tpu.vector_store %arg8[%swap3A_548, %swap3A_549], %broadcast_in_dim3A_547 {strides = array<i32>} : memref<1024x128xf32, #tpu.memory_space<vmem>>, vector<1024x128xf32>,
      %broadcast_in_dim3A_551 = arith.constant 0 : i32
      %broadcast_in_dim3A_552 = vector.broadcast %broadcast_in_dim3A_551 : i32 to vector<1024x128xi32>
      %swap3A_553 = arith.constant 0 : index
      %swap3A_554 = arith.constant 0 : index
      %swap3A_555 = vector.load %arg9[%swap3A_553, %swap3A_554] : memref<1024x128xi32, #tpu.memory_space<vmem>>, vector<1024x128xi32>
      tpu.vector_store %arg9[%swap3A_553, %swap3A_554], %broadcast_in_dim3A_552 {strides = array<i32>} : memref<1024x128xi32, #tpu.memory_space<vmem>>, vector<1024x128xi32>,
      %broadcast_in_dim3A_556 = arith.constant 0 : i32
      %broadcast_in_dim3A_557 = vector.broadcast %broadcast_in_dim3A_556 : i32 to vector<1024x128xi32>
      %swap3A_558 = arith.constant 0 : index
      %swap3A_559 = arith.constant 0 : index
      %swap3A_560 = vector.load %arg10[%swap3A_558, %swap3A_559] : memref<1024x128xi32, #tpu.memory_space<vmem>>, vector<1024x128xi32>
      tpu.vector_store %arg10[%swap3A_558, %swap3A_559], %broadcast_in_dim3A_557 {strides = array<i32>} : memref<1024x128xi32, #tpu.memory_space<vmem>>, vector<1024x128xi32>,
      %broadcast_in_dim3A_561 = arith.constant 0 : i32
      %broadcast_in_dim3A_562 = vector.broadcast %broadcast_in_dim3A_561 : i32 to vector<1024x128xi32>
      %swap3A_563 = arith.constant 0 : index
      %swap3A_564 = arith.constant 0 : index
      %swap3A_565 = vector.load %arg11[%swap3A_563, %swap3A_564] : memref<1024x128xi32, #tpu.memory_space<vmem>>, vector<1024x128xi32>
      tpu.vector_store %arg11[%swap3A_563, %swap3A_564], %broadcast_in_dim3A_562 {strides = array<i32>} : memref<1024x128xi32, #tpu.memory_space<vmem>>, vector<1024x128xi32>,
      %broadcast_in_dim3A_566 = arith.constant 0.000000e+00 : f32
      %broadcast_in_dim3A_567 = vector.broadcast %broadcast_in_dim3A_566 : f32 to vector<1024x3xf32>
      %swap3A_568 = arith.constant 0 : index
      %swap3A_569 = arith.constant 0 : index
      %swap3A_570 = vector.load %arg3[%swap3A_568, %swap3A_569] : memref<1024x3xf32, #tpu.memory_space<vmem>>, vector<1024x3xf32>
      tpu.vector_store %arg3[%swap3A_568, %swap3A_569], %broadcast_in_dim3A_567 {strides = array<i32>} : memref<1024x3xf32, #tpu.memory_space<vmem>>, vector<1024x3xf32>,
      %broadcast_in_dim3A_571 = arith.constant 0 : i32
      %broadcast_in_dim3A_572 = vector.broadcast %broadcast_in_dim3A_571 : i32 to vector<1024x3xi32>
      %swap3A_573 = arith.constant 0 : index
      %swap3A_574 = arith.constant 0 : index
      %swap3A_575 = vector.load %arg4[%swap3A_573, %swap3A_574] : memref<1024x3xi32, #tpu.memory_space<vmem>>, vector<1024x3xi32>
      tpu.vector_store %arg4[%swap3A_573, %swap3A_574], %broadcast_in_dim3A_572 {strides = array<i32>} : memref<1024x3xi32, #tpu.memory_space<vmem>>, vector<1024x3xi32>,
    } else {
    }
    %get3A = arith.constant 0 : index
    %get3A_2 = arith.constant 0 : index
    %get3A_3 = vector.load %arg2[%get3A, %get3A_2] : memref<2048x65xf32, #tpu.memory_space<vmem>>, vector<2048x64xf32>
    %mul3A = arith.mulf %get3A_3, %get3A_3 : vector<2048x64xf32>
    %reduce_sum3A = arith.constant dense<0.000000e+00> : vector<2048xf32>
    %reduce_sum3A_4 = vector.multi_reduction <add>, %mul3A, %reduce_sum3A [1] : vector<2048x64xf32> to vector<2048xf32>
    %broadcast_in_dim3A = vector.shape_cast %reduce_sum3A_4 : vector<2048xf32> to vector<2048x1xf32>
    %sqrt3A = math.sqrt %broadcast_in_dim3A : vector<2048x1xf32>
    %div3A = vector.broadcast %sqrt3A : vector<2048x1xf32> to vector<2048x64xf32>
    %div3A_5 = arith.divf %get3A_3, %div3A : vector<2048x64xf32>
    %get3A_6 = arith.constant 0 : index
    %get3A_7 = arith.constant 0 : index
    %get3A_8 = vector.load %arg5[%get3A_6, %get3A_7] : memref<1024x64xf32, #tpu.memory_space<vmem>>, vector<1024x64xf32>
    %dot_general3A = arith.constant dense<0.000000e+00> : vector<1024x2048xf32>
    %dot_general3A_9 = tpu.matmul %get3A_8, %div3A_5, %dot_general3A {dimension_numbers = #tpu.dot_dimension_numbers<[1], [1], [0], [0], [0, 0, 1, 0], [], []>, transpose_lhs_hint = false} : vector<1024x64xf32>, vector<2048x64xf32>, vector<1024x2048xf32> -> vector<1024x2048xf32>
    %iota3A = tpu.iota {dimensions = array<i32: 1>} : vector<1024x128xi32>
    %get3A_10 = arith.constant 0 : index
    %get3A_11 = arith.constant 0 : index
    %get3A_12 = vector.load %arg6[%get3A_10, %get3A_11] : memref<1024x128xf32, #tpu.memory_space<vmem>>, vector<1024x128xf32>
    %get3A_13 = arith.constant 0 : index
    %get3A_14 = arith.constant 0 : index
    %get3A_15 = vector.load %arg7[%get3A_13, %get3A_14] : memref<1024x128xf32, #tpu.memory_space<vmem>>, vector<1024x128xf32>
    %get3A_16 = arith.constant 0 : index
    %get3A_17 = arith.constant 0 : index
    %get3A_18 = vector.load %arg8[%get3A_16, %get3A_17] : memref<1024x128xf32, #tpu.memory_space<vmem>>, vector<1024x128xf32>
    %get3A_19 = arith.constant 0 : index
    %get3A_20 = arith.constant 0 : index
    %get3A_21 = vector.load %arg9[%get3A_19, %get3A_20] : memref<1024x128xi32, #tpu.memory_space<vmem>>, vector<1024x128xi32>
    %get3A_22 = arith.constant 0 : index
    %get3A_23 = arith.constant 0 : index
    %get3A_24 = vector.load %arg10[%get3A_22, %get3A_23] : memref<1024x128xi32, #tpu.memory_space<vmem>>, vector<1024x128xi32>
    %get3A_25 = arith.constant 0 : index
    %get3A_26 = arith.constant 0 : index
    %get3A_27 = vector.load %arg11[%get3A_25, %get3A_26] : memref<1024x128xi32, #tpu.memory_space<vmem>>, vector<1024x128xi32>
    %slice3A = vector.extract_strided_slice %dot_general3A_9 {offsets = [0, 0], sizes = [1024, 128], strides = [1, 1]} : vector<1024x2048xf32> to vector<1024x128xf32>
    %mul3A_28 = arith.constant 16 : i32
    %mul3A_29 = arith.muli %arg0, %mul3A_28 : i32
    %add3A = arith.constant 0 : i32
    %add3A_30 = arith.addi %mul3A_29, %add3A : i32
    %mul3A_31 = arith.constant 128 : i32
    %mul3A_32 = arith.muli %add3A_30, %mul3A_31 : i32
    %sub3A = arith.constant 100000 : i32
    %sub3A_33 = arith.subi %sub3A, %mul3A_32 : i32
    %lt3A = vector.broadcast %sub3A_33 : i32 to vector<1024x128xi32>
    %lt3A_34 = arith.cmpi slt, %iota3A, %lt3A : vector<1024x128xi32>
    %jit3A = arith.constant 0xFF800000 : f32
    %broadcast_in_dim3A_35 = vector.broadcast %jit3A : f32 to vector<1024x128xf32>
    %select_n3A = arith.select %lt3A_34, %slice3A, %broadcast_in_dim3A_35 : vector<1024x128xi1>, vector<1024x128xf32>
    %gt3A = arith.cmpf ogt, %select_n3A, %get3A_12 : vector<1024x128xf32>
    %gt3A_36 = arith.cmpf ogt, %select_n3A, %get3A_15 : vector<1024x128xf32>
    %gt3A_37 = arith.cmpf ogt, %select_n3A, %get3A_18 : vector<1024x128xf32>
    %select_n3A_38 = arith.select %gt3A_37, %select_n3A, %get3A_18 : vector<1024x128xi1>, vector<1024x128xf32>
    %select_n3A_39 = arith.select %gt3A_36, %get3A_15, %select_n3A_38 : vector<1024x128xi1>, vector<1024x128xf32>
    %broadcast_in_dim3A_40 = vector.broadcast %add3A_30 : i32 to vector<1024x128xi32>
    %select_n3A_41 = arith.select %gt3A_37, %broadcast_in_dim3A_40, %get3A_27 : vector<1024x128xi1>, vector<1024x128xi32>
    %select_n3A_42 = arith.select %gt3A_36, %get3A_24, %select_n3A_41 : vector<1024x128xi1>, vector<1024x128xi32>
    %select_n3A_43 = arith.select %gt3A_36, %select_n3A, %get3A_15 : vector<1024x128xi1>, vector<1024x128xf32>
    %select_n3A_44 = arith.select %gt3A, %get3A_12, %select_n3A_43 : vector<1024x128xi1>, vector<1024x128xf32>
    %broadcast_in_dim3A_45 = vector.broadcast %add3A_30 : i32 to vector<1024x128xi32>
    %select_n3A_46 = arith.select %gt3A_36, %broadcast_in_dim3A_45, %get3A_24 : vector<1024x128xi1>, vector<1024x128xi32>
    %select_n3A_47 = arith.select %gt3A, %get3A_21, %select_n3A_46 : vector<1024x128xi1>, vector<1024x128xi32>
    %select_n3A_48 = arith.select %gt3A, %select_n3A, %get3A_12 : vector<1024x128xi1>, vector<1024x128xf32>
    %broadcast_in_dim3A_49 = vector.broadcast %add3A_30 : i32 to vector<1024x128xi32>
    %select_n3A_50 = arith.select %gt3A, %broadcast_in_dim3A_49, %get3A_21 : vector<1024x128xi1>, vector<1024x128xi32>
    %slice3A_51 = vector.extract_strided_slice %dot_general3A_9 {offsets = [0, 128], sizes = [1024, 128], strides = [1, 1]} : vector<1024x2048xf32> to vector<1024x128xf32>
    %mul3A_52 = arith.constant 16 : i32
    %mul3A_53 = arith.muli %arg0, %mul3A_52 : i32
    %add3A_54 = arith.constant 1 : i32
    %add3A_55 = arith.addi %mul3A_53, %add3A_54 : i32
    %mul3A_56 = arith.constant 128 : i32
    %mul3A_57 = arith.muli %add3A_55, %mul3A_56 : i32
    %sub3A_58 = arith.constant 100000 : i32
    %sub3A_59 = arith.subi %sub3A_58, %mul3A_57 : i32
    %lt3A_60 = vector.broadcast %sub3A_59 : i32 to vector<1024x128xi32>
    %lt3A_61 = arith.cmpi slt, %iota3A, %lt3A_60 : vector<1024x128xi32>
    %jit3A_62 = arith.constant 0xFF800000 : f32
    %broadcast_in_dim3A_63 = vector.broadcast %jit3A_62 : f32 to vector<1024x128xf32>
    %select_n3A_64 = arith.select %lt3A_61, %slice3A_51, %broadcast_in_dim3A_63 : vector<1024x128xi1>, vector<1024x128xf32>
    %gt3A_65 = arith.cmpf ogt, %select_n3A_64, %select_n3A_48 : vector<1024x128xf32>
    %gt3A_66 = arith.cmpf ogt, %select_n3A_64, %select_n3A_44 : vector<1024x128xf32>
    %gt3A_67 = arith.cmpf ogt, %select_n3A_64, %select_n3A_39 : vector<1024x128xf32>
    %select_n3A_68 = arith.select %gt3A_67, %select_n3A_64, %select_n3A_39 : vector<1024x128xi1>, vector<1024x128xf32>
    %select_n3A_69 = arith.select %gt3A_66, %select_n3A_44, %select_n3A_68 : vector<1024x128xi1>, vector<1024x128xf32>
    %broadcast_in_dim3A_70 = vector.broadcast %add3A_55 : i32 to vector<1024x128xi32>
    %select_n3A_71 = arith.select %gt3A_67, %broadcast_in_dim3A_70, %select_n3A_42 : vector<1024x128xi1>, vector<1024x128xi32>
    %select_n3A_72 = arith.select %gt3A_66, %select_n3A_47, %select_n3A_71 : vector<1024x128xi1>, vector<1024x128xi32>
    %select_n3A_73 = arith.select %gt3A_66, %select_n3A_64, %select_n3A_44 : vector<1024x128xi1>, vector<1024x128xf32>
    %select_n3A_74 = arith.select %gt3A_65, %select_n3A_48, %select_n3A_73 : vector<1024x128xi1>, vector<1024x128xf32>
    %broadcast_in_dim3A_75 = vector.broadcast %add3A_55 : i32 to vector<1024x128xi32>
    %select_n3A_76 = arith.select %gt3A_66, %broadcast_in_dim3A_75, %select_n3A_47 : vector<1024x128xi1>, vector<1024x128xi32>
    %select_n3A_77 = arith.select %gt3A_65, %select_n3A_50, %select_n3A_76 : vector<1024x128xi1>, vector<1024x128xi32>
    %select_n3A_78 = arith.select %gt3A_65, %select_n3A_64, %select_n3A_48 : vector<1024x128xi1>, vector<1024x128xf32>
    %broadcast_in_dim3A_79 = vector.broadcast %add3A_55 : i32 to vector<1024x128xi32>
    %select_n3A_80 = arith.select %gt3A_65, %broadcast_in_dim3A_79, %select_n3A_50 : vector<1024x128xi1>, vector<1024x128xi32>
    %slice3A_81 = vector.extract_strided_slice %dot_general3A_9 {offsets = [0, 256], sizes = [1024, 128], strides = [1, 1]} : vector<1024x2048xf32> to vector<1024x128xf32>
    %mul3A_82 = arith.constant 16 : i32
    %mul3A_83 = arith.muli %arg0, %mul3A_82 : i32
    %add3A_84 = arith.constant 2 : i32
    %add3A_85 = arith.addi %mul3A_83, %add3A_84 : i32
    %mul3A_86 = arith.constant 128 : i32
    %mul3A_87 = arith.muli %add3A_85, %mul3A_86 : i32
    %sub3A_88 = arith.constant 100000 : i32
    %sub3A_89 = arith.subi %sub3A_88, %mul3A_87 : i32
    %lt3A_90 = vector.broadcast %sub3A_89 : i32 to vector<1024x128xi32>
    %lt3A_91 = arith.cmpi slt, %iota3A, %lt3A_90 : vector<1024x128xi32>
    %jit3A_92 = arith.constant 0xFF800000 : f32
    %broadcast_in_dim3A_93 = vector.broadcast %jit3A_92 : f32 to vector<1024x128xf32>
    %select_n3A_94 = arith.select %lt3A_91, %slice3A_81, %broadcast_in_dim3A_93 : vector<1024x128xi1>, vector<1024x128xf32>
    %gt3A_95 = arith.cmpf ogt, %select_n3A_94, %select_n3A_78 : vector<1024x128xf32>
    %gt3A_96 = arith.cmpf ogt, %select_n3A_94, %select_n3A_74 : vector<1024x128xf32>
    %gt3A_97 = arith.cmpf ogt, %select_n3A_94, %select_n3A_69 : vector<1024x128xf32>
    %select_n3A_98 = arith.select %gt3A_97, %select_n3A_94, %select_n3A_69 : vector<1024x128xi1>, vector<1024x128xf32>
    %select_n3A_99 = arith.select %gt3A_96, %select_n3A_74, %select_n3A_98 : vector<1024x128xi1>, vector<1024x128xf32>
    %broadcast_in_dim3A_100 = vector.broadcast %add3A_85 : i32 to vector<1024x128xi32>
    %select_n3A_101 = arith.select %gt3A_97, %broadcast_in_dim3A_100, %select_n3A_72 : vector<1024x128xi1>, vector<1024x128xi32>
    %select_n3A_102 = arith.select %gt3A_96, %select_n3A_77, %select_n3A_101 : vector<1024x128xi1>, vector<1024x128xi32>
    %select_n3A_103 = arith.select %gt3A_96, %select_n3A_94, %select_n3A_74 : vector<1024x128xi1>, vector<1024x128xf32>
    %select_n3A_104 = arith.select %gt3A_95, %select_n3A_78, %select_n3A_103 : vector<1024x128xi1>, vector<1024x128xf32>
    %broadcast_in_dim3A_105 = vector.broadcast %add3A_85 : i32 to vector<1024x128xi32>
    %select_n3A_106 = arith.select %gt3A_96, %broadcast_in_dim3A_105, %select_n3A_77 : vector<1024x128xi1>, vector<1024x128xi32>
    %select_n3A_107 = arith.select %gt3A_95, %select_n3A_80, %select_n3A_106 : vector<1024x128xi1>, vector<1024x128xi32>
    %select_n3A_108 = arith.select %gt3A_95, %select_n3A_94, %select_n3A_78 : vector<1024x128xi1>, vector<1024x128xf32>
    %broadcast_in_dim3A_109 = vector.broadcast %add3A_85 : i32 to vector<1024x128xi32>
    %select_n3A_110 = arith.select %gt3A_95, %broadcast_in_dim3A_109, %select_n3A_80 : vector<1024x128xi1>, vector<1024x128xi32>
    %slice3A_111 = vector.extract_strided_slice %dot_general3A_9 {offsets = [0, 384], sizes = [1024, 128], strides = [1, 1]} : vector<1024x2048xf32> to vector<1024x128xf32>
    %mul3A_112 = arith.constant 16 : i32
    %mul3A_113 = arith.muli %arg0, %mul3A_112 : i32
    %add3A_114 = arith.constant 3 : i32
    %add3A_115 = arith.addi %mul3A_113, %add3A_114 : i32
    %mul3A_116 = arith.constant 128 : i32
    %mul3A_117 = arith.muli %add3A_115, %mul3A_116 : i32
    %sub3A_118 = arith.constant 100000 : i32
    %sub3A_119 = arith.subi %sub3A_118, %mul3A_117 : i32
    %lt3A_120 = vector.broadcast %sub3A_119 : i32 to vector<1024x128xi32>
    %lt3A_121 = arith.cmpi slt, %iota3A, %lt3A_120 : vector<1024x128xi32>
    %jit3A_122 = arith.constant 0xFF800000 : f32
    %broadcast_in_dim3A_123 = vector.broadcast %jit3A_122 : f32 to vector<1024x128xf32>
    %select_n3A_124 = arith.select %lt3A_121, %slice3A_111, %broadcast_in_dim3A_123 : vector<1024x128xi1>, vector<1024x128xf32>
    %gt3A_125 = arith.cmpf ogt, %select_n3A_124, %select_n3A_108 : vector<1024x128xf32>
    %gt3A_126 = arith.cmpf ogt, %select_n3A_124, %select_n3A_104 : vector<1024x128xf32>
    %gt3A_127 = arith.cmpf ogt, %select_n3A_124, %select_n3A_99 : vector<1024x128xf32>
    %select_n3A_128 = arith.select %gt3A_127, %select_n3A_124, %select_n3A_99 : vector<1024x128xi1>, vector<1024x128xf32>
    %select_n3A_129 = arith.select %gt3A_126, %select_n3A_104, %select_n3A_128 : vector<1024x128xi1>, vector<1024x128xf32>
    %broadcast_in_dim3A_130 = vector.broadcast %add3A_115 : i32 to vector<1024x128xi32>
    %select_n3A_131 = arith.select %gt3A_127, %broadcast_in_dim3A_130, %select_n3A_102 : vector<1024x128xi1>, vector<1024x128xi32>
    %select_n3A_132 = arith.select %gt3A_126, %select_n3A_107, %select_n3A_131 : vector<1024x128xi1>, vector<1024x128xi32>
    %select_n3A_133 = arith.select %gt3A_126, %select_n3A_124, %select_n3A_104 : vector<1024x128xi1>, vector<1024x128xf32>
    %select_n3A_134 = arith.select %gt3A_125, %select_n3A_108, %select_n3A_133 : vector<1024x128xi1>, vector<1024x128xf32>
    %broadcast_in_dim3A_135 = vector.broadcast %add3A_115 : i32 to vector<1024x128xi32>
    %select_n3A_136 = arith.select %gt3A_126, %broadcast_in_dim3A_135, %select_n3A_107 : vector<1024x128xi1>, vector<1024x128xi32>
    %select_n3A_137 = arith.select %gt3A_125, %select_n3A_110, %select_n3A_136 : vector<1024x128xi1>, vector<1024x128xi32>
    %select_n3A_138 = arith.select %gt3A_125, %select_n3A_124, %select_n3A_108 : vector<1024x128xi1>, vector<1024x128xf32>
    %broadcast_in_dim3A_139 = vector.broadcast %add3A_115 : i32 to vector<1024x128xi32>
    %select_n3A_140 = arith.select %gt3A_125, %broadcast_in_dim3A_139, %select_n3A_110 : vector<1024x128xi1>, vector<1024x128xi32>
    %slice3A_141 = vector.extract_strided_slice %dot_general3A_9 {offsets = [0, 512], sizes = [1024, 128], strides = [1, 1]} : vector<1024x2048xf32> to vector<1024x128xf32>
    %mul3A_142 = arith.constant 16 : i32
    %mul3A_143 = arith.muli %arg0, %mul3A_142 : i32
    %add3A_144 = arith.constant 4 : i32
    %add3A_145 = arith.addi %mul3A_143, %add3A_144 : i32
    %mul3A_146 = arith.constant 128 : i32
    %mul3A_147 = arith.muli %add3A_145, %mul3A_146 : i32
    %sub3A_148 = arith.constant 100000 : i32
    %sub3A_149 = arith.subi %sub3A_148, %mul3A_147 : i32
    %lt3A_150 = vector.broadcast %sub3A_149 : i32 to vector<1024x128xi32>
    %lt3A_151 = arith.cmpi slt, %iota3A, %lt3A_150 : vector<1024x128xi32>
    %jit3A_152 = arith.constant 0xFF800000 : f32
    %broadcast_in_dim3A_153 = vector.broadcast %jit3A_152 : f32 to vector<1024x128xf32>
    %select_n3A_154 = arith.select %lt3A_151, %slice3A_141, %broadcast_in_dim3A_153 : vector<1024x128xi1>, vector<1024x128xf32>
    %gt3A_155 = arith.cmpf ogt, %select_n3A_154, %select_n3A_138 : vector<1024x128xf32>
    %gt3A_156 = arith.cmpf ogt, %select_n3A_154, %select_n3A_134 : vector<1024x128xf32>
    %gt3A_157 = arith.cmpf ogt, %select_n3A_154, %select_n3A_129 : vector<1024x128xf32>
    %select_n3A_158 = arith.select %gt3A_157, %select_n3A_154, %select_n3A_129 : vector<1024x128xi1>, vector<1024x128xf32>
    %select_n3A_159 = arith.select %gt3A_156, %select_n3A_134, %select_n3A_158 : vector<1024x128xi1>, vector<1024x128xf32>
    %broadcast_in_dim3A_160 = vector.broadcast %add3A_145 : i32 to vector<1024x128xi32>
    %select_n3A_161 = arith.select %gt3A_157, %broadcast_in_dim3A_160, %select_n3A_132 : vector<1024x128xi1>, vector<1024x128xi32>
    %select_n3A_162 = arith.select %gt3A_156, %select_n3A_137, %select_n3A_161 : vector<1024x128xi1>, vector<1024x128xi32>
    %select_n3A_163 = arith.select %gt3A_156, %select_n3A_154, %select_n3A_134 : vector<1024x128xi1>, vector<1024x128xf32>
    %select_n3A_164 = arith.select %gt3A_155, %select_n3A_138, %select_n3A_163 : vector<1024x128xi1>, vector<1024x128xf32>
    %broadcast_in_dim3A_165 = vector.broadcast %add3A_145 : i32 to vector<1024x128xi32>
    %select_n3A_166 = arith.select %gt3A_156, %broadcast_in_dim3A_165, %select_n3A_137 : vector<1024x128xi1>, vector<1024x128xi32>
    %select_n3A_167 = arith.select %gt3A_155, %select_n3A_140, %select_n3A_166 : vector<1024x128xi1>, vector<1024x128xi32>
    %select_n3A_168 = arith.select %gt3A_155, %select_n3A_154, %select_n3A_138 : vector<1024x128xi1>, vector<1024x128xf32>
    %broadcast_in_dim3A_169 = vector.broadcast %add3A_145 : i32 to vector<1024x128xi32>
    %select_n3A_170 = arith.select %gt3A_155, %broadcast_in_dim3A_169, %select_n3A_140 : vector<1024x128xi1>, vector<1024x128xi32>
    %slice3A_171 = vector.extract_strided_slice %dot_general3A_9 {offsets = [0, 640], sizes = [1024, 128], strides = [1, 1]} : vector<1024x2048xf32> to vector<1024x128xf32>
    %mul3A_172 = arith.constant 16 : i32
    %mul3A_173 = arith.muli %arg0, %mul3A_172 : i32
    %add3A_174 = arith.constant 5 : i32
    %add3A_175 = arith.addi %mul3A_173, %add3A_174 : i32
    %mul3A_176 = arith.constant 128 : i32
    %mul3A_177 = arith.muli %add3A_175, %mul3A_176 : i32
    %sub3A_178 = arith.constant 100000 : i32
    %sub3A_179 = arith.subi %sub3A_178, %mul3A_177 : i32
    %lt3A_180 = vector.broadcast %sub3A_179 : i32 to vector<1024x128xi32>
    %lt3A_181 = arith.cmpi slt, %iota3A, %lt3A_180 : vector<1024x128xi32>
    %jit3A_182 = arith.constant 0xFF800000 : f32
    %broadcast_in_dim3A_183 = vector.broadcast %jit3A_182 : f32 to vector<1024x128xf32>
    %select_n3A_184 = arith.select %lt3A_181, %slice3A_171, %broadcast_in_dim3A_183 : vector<1024x128xi1>, vector<1024x128xf32>
    %gt3A_185 = arith.cmpf ogt, %select_n3A_184, %select_n3A_168 : vector<1024x128xf32>
    %gt3A_186 = arith.cmpf ogt, %select_n3A_184, %select_n3A_164 : vector<1024x128xf32>
    %gt3A_187 = arith.cmpf ogt, %select_n3A_184, %select_n3A_159 : vector<1024x128xf32>
    %select_n3A_188 = arith.select %gt3A_187, %select_n3A_184, %select_n3A_159 : vector<1024x128xi1>, vector<1024x128xf32>
    %select_n3A_189 = arith.select %gt3A_186, %select_n3A_164, %select_n3A_188 : vector<1024x128xi1>, vector<1024x128xf32>
    %broadcast_in_dim3A_190 = vector.broadcast %add3A_175 : i32 to vector<1024x128xi32>
    %select_n3A_191 = arith.select %gt3A_187, %broadcast_in_dim3A_190, %select_n3A_162 : vector<1024x128xi1>, vector<1024x128xi32>
    %select_n3A_192 = arith.select %gt3A_186, %select_n3A_167, %select_n3A_191 : vector<1024x128xi1>, vector<1024x128xi32>
    %select_n3A_193 = arith.select %gt3A_186, %select_n3A_184, %select_n3A_164 : vector<1024x128xi1>, vector<1024x128xf32>
    %select_n3A_194 = arith.select %gt3A_185, %select_n3A_168, %select_n3A_193 : vector<1024x128xi1>, vector<1024x128xf32>
    %broadcast_in_dim3A_195 = vector.broadcast %add3A_175 : i32 to vector<1024x128xi32>
    %select_n3A_196 = arith.select %gt3A_186, %broadcast_in_dim3A_195, %select_n3A_167 : vector<1024x128xi1>, vector<1024x128xi32>
    %select_n3A_197 = arith.select %gt3A_185, %select_n3A_170, %select_n3A_196 : vector<1024x128xi1>, vector<1024x128xi32>
    %select_n3A_198 = arith.select %gt3A_185, %select_n3A_184, %select_n3A_168 : vector<1024x128xi1>, vector<1024x128xf32>
    %broadcast_in_dim3A_199 = vector.broadcast %add3A_175 : i32 to vector<1024x128xi32>
    %select_n3A_200 = arith.select %gt3A_185, %broadcast_in_dim3A_199, %select_n3A_170 : vector<1024x128xi1>, vector<1024x128xi32>
    %slice3A_201 = vector.extract_strided_slice %dot_general3A_9 {offsets = [0, 768], sizes = [1024, 128], strides = [1, 1]} : vector<1024x2048xf32> to vector<1024x128xf32>
    %mul3A_202 = arith.constant 16 : i32
    %mul3A_203 = arith.muli %arg0, %mul3A_202 : i32
    %add3A_204 = arith.constant 6 : i32
    %add3A_205 = arith.addi %mul3A_203, %add3A_204 : i32
    %mul3A_206 = arith.constant 128 : i32
    %mul3A_207 = arith.muli %add3A_205, %mul3A_206 : i32
    %sub3A_208 = arith.constant 100000 : i32
    %sub3A_209 = arith.subi %sub3A_208, %mul3A_207 : i32
    %lt3A_210 = vector.broadcast %sub3A_209 : i32 to vector<1024x128xi32>
    %lt3A_211 = arith.cmpi slt, %iota3A, %lt3A_210 : vector<1024x128xi32>
    %jit3A_212 = arith.constant 0xFF800000 : f32
    %broadcast_in_dim3A_213 = vector.broadcast %jit3A_212 : f32 to vector<1024x128xf32>
    %select_n3A_214 = arith.select %lt3A_211, %slice3A_201, %broadcast_in_dim3A_213 : vector<1024x128xi1>, vector<1024x128xf32>
    %gt3A_215 = arith.cmpf ogt, %select_n3A_214, %select_n3A_198 : vector<1024x128xf32>
    %gt3A_216 = arith.cmpf ogt, %select_n3A_214, %select_n3A_194 : vector<1024x128xf32>
    %gt3A_217 = arith.cmpf ogt, %select_n3A_214, %select_n3A_189 : vector<1024x128xf32>
    %select_n3A_218 = arith.select %gt3A_217, %select_n3A_214, %select_n3A_189 : vector<1024x128xi1>, vector<1024x128xf32>
    %select_n3A_219 = arith.select %gt3A_216, %select_n3A_194, %select_n3A_218 : vector<1024x128xi1>, vector<1024x128xf32>
    %broadcast_in_dim3A_220 = vector.broadcast %add3A_205 : i32 to vector<1024x128xi32>
    %select_n3A_221 = arith.select %gt3A_217, %broadcast_in_dim3A_220, %select_n3A_192 : vector<1024x128xi1>, vector<1024x128xi32>
    %select_n3A_222 = arith.select %gt3A_216, %select_n3A_197, %select_n3A_221 : vector<1024x128xi1>, vector<1024x128xi32>
    %select_n3A_223 = arith.select %gt3A_216, %select_n3A_214, %select_n3A_194 : vector<1024x128xi1>, vector<1024x128xf32>
    %select_n3A_224 = arith.select %gt3A_215, %select_n3A_198, %select_n3A_223 : vector<1024x128xi1>, vector<1024x128xf32>
    %broadcast_in_dim3A_225 = vector.broadcast %add3A_205 : i32 to vector<1024x128xi32>
    %select_n3A_226 = arith.select %gt3A_216, %broadcast_in_dim3A_225, %select_n3A_197 : vector<1024x128xi1>, vector<1024x128xi32>
    %select_n3A_227 = arith.select %gt3A_215, %select_n3A_200, %select_n3A_226 : vector<1024x128xi1>, vector<1024x128xi32>
    %select_n3A_228 = arith.select %gt3A_215, %select_n3A_214, %select_n3A_198 : vector<1024x128xi1>, vector<1024x128xf32>
    %broadcast_in_dim3A_229 = vector.broadcast %add3A_205 : i32 to vector<1024x128xi32>
    %select_n3A_230 = arith.select %gt3A_215, %broadcast_in_dim3A_229, %select_n3A_200 : vector<1024x128xi1>, vector<1024x128xi32>
    %slice3A_231 = vector.extract_strided_slice %dot_general3A_9 {offsets = [0, 896], sizes = [1024, 128], strides = [1, 1]} : vector<1024x2048xf32> to vector<1024x128xf32>
    %mul3A_232 = arith.constant 16 : i32
    %mul3A_233 = arith.muli %arg0, %mul3A_232 : i32
    %add3A_234 = arith.constant 7 : i32
    %add3A_235 = arith.addi %mul3A_233, %add3A_234 : i32
    %mul3A_236 = arith.constant 128 : i32
    %mul3A_237 = arith.muli %add3A_235, %mul3A_236 : i32
    %sub3A_238 = arith.constant 100000 : i32
    %sub3A_239 = arith.subi %sub3A_238, %mul3A_237 : i32
    %lt3A_240 = vector.broadcast %sub3A_239 : i32 to vector<1024x128xi32>
    %lt3A_241 = arith.cmpi slt, %iota3A, %lt3A_240 : vector<1024x128xi32>
    %jit3A_242 = arith.constant 0xFF800000 : f32
    %broadcast_in_dim3A_243 = vector.broadcast %jit3A_242 : f32 to vector<1024x128xf32>
    %select_n3A_244 = arith.select %lt3A_241, %slice3A_231, %broadcast_in_dim3A_243 : vector<1024x128xi1>, vector<1024x128xf32>
    %gt3A_245 = arith.cmpf ogt, %select_n3A_244, %select_n3A_228 : vector<1024x128xf32>
    %gt3A_246 = arith.cmpf ogt, %select_n3A_244, %select_n3A_224 : vector<1024x128xf32>
    %gt3A_247 = arith.cmpf ogt, %select_n3A_244, %select_n3A_219 : vector<1024x128xf32>
    %select_n3A_248 = arith.select %gt3A_247, %select_n3A_244, %select_n3A_219 : vector<1024x128xi1>, vector<1024x128xf32>
    %select_n3A_249 = arith.select %gt3A_246, %select_n3A_224, %select_n3A_248 : vector<1024x128xi1>, vector<1024x128xf32>
    %broadcast_in_dim3A_250 = vector.broadcast %add3A_235 : i32 to vector<1024x128xi32>
    %select_n3A_251 = arith.select %gt3A_247, %broadcast_in_dim3A_250, %select_n3A_222 : vector<1024x128xi1>, vector<1024x128xi32>
    %select_n3A_252 = arith.select %gt3A_246, %select_n3A_227, %select_n3A_251 : vector<1024x128xi1>, vector<1024x128xi32>
    %select_n3A_253 = arith.select %gt3A_246, %select_n3A_244, %select_n3A_224 : vector<1024x128xi1>, vector<1024x128xf32>
    %select_n3A_254 = arith.select %gt3A_245, %select_n3A_228, %select_n3A_253 : vector<1024x128xi1>, vector<1024x128xf32>
    %broadcast_in_dim3A_255 = vector.broadcast %add3A_235 : i32 to vector<1024x128xi32>
    %select_n3A_256 = arith.select %gt3A_246, %broadcast_in_dim3A_255, %select_n3A_227 : vector<1024x128xi1>, vector<1024x128xi32>
    %select_n3A_257 = arith.select %gt3A_245, %select_n3A_230, %select_n3A_256 : vector<1024x128xi1>, vector<1024x128xi32>
    %select_n3A_258 = arith.select %gt3A_245, %select_n3A_244, %select_n3A_228 : vector<1024x128xi1>, vector<1024x128xf32>
    %broadcast_in_dim3A_259 = vector.broadcast %add3A_235 : i32 to vector<1024x128xi32>
    %select_n3A_260 = arith.select %gt3A_245, %broadcast_in_dim3A_259, %select_n3A_230 : vector<1024x128xi1>, vector<1024x128xi32>
    %slice3A_261 = vector.extract_strided_slice %dot_general3A_9 {offsets = [0, 1024], sizes = [1024, 128], strides = [1, 1]} : vector<1024x2048xf32> to vector<1024x128xf32>
    %mul3A_262 = arith.constant 16 : i32
    %mul3A_263 = arith.muli %arg0, %mul3A_262 : i32
    %add3A_264 = arith.constant 8 : i32
    %add3A_265 = arith.addi %mul3A_263, %add3A_264 : i32
    %mul3A_266 = arith.constant 128 : i32
    %mul3A_267 = arith.muli %add3A_265, %mul3A_266 : i32
    %sub3A_268 = arith.constant 100000 : i32
    %sub3A_269 = arith.subi %sub3A_268, %mul3A_267 : i32
    %lt3A_270 = vector.broadcast %sub3A_269 : i32 to vector<1024x128xi32>
    %lt3A_271 = arith.cmpi slt, %iota3A, %lt3A_270 : vector<1024x128xi32>
    %jit3A_272 = arith.constant 0xFF800000 : f32
    %broadcast_in_dim3A_273 = vector.broadcast %jit3A_272 : f32 to vector<1024x128xf32>
    %select_n3A_274 = arith.select %lt3A_271, %slice3A_261, %broadcast_in_dim3A_273 : vector<1024x128xi1>, vector<1024x128xf32>
    %gt3A_275 = arith.cmpf ogt, %select_n3A_274, %select_n3A_258 : vector<1024x128xf32>
    %gt3A_276 = arith.cmpf ogt, %select_n3A_274, %select_n3A_254 : vector<1024x128xf32>
    %gt3A_277 = arith.cmpf ogt, %select_n3A_274, %select_n3A_249 : vector<1024x128xf32>
    %select_n3A_278 = arith.select %gt3A_277, %select_n3A_274, %select_n3A_249 : vector<1024x128xi1>, vector<1024x128xf32>
    %select_n3A_279 = arith.select %gt3A_276, %select_n3A_254, %select_n3A_278 : vector<1024x128xi1>, vector<1024x128xf32>
    %broadcast_in_dim3A_280 = vector.broadcast %add3A_265 : i32 to vector<1024x128xi32>
    %select_n3A_281 = arith.select %gt3A_277, %broadcast_in_dim3A_280, %select_n3A_252 : vector<1024x128xi1>, vector<1024x128xi32>
    %select_n3A_282 = arith.select %gt3A_276, %select_n3A_257, %select_n3A_281 : vector<1024x128xi1>, vector<1024x128xi32>
    %select_n3A_283 = arith.select %gt3A_276, %select_n3A_274, %select_n3A_254 : vector<1024x128xi1>, vector<1024x128xf32>
    %select_n3A_284 = arith.select %gt3A_275, %select_n3A_258, %select_n3A_283 : vector<1024x128xi1>, vector<1024x128xf32>
    %broadcast_in_dim3A_285 = vector.broadcast %add3A_265 : i32 to vector<1024x128xi32>
    %select_n3A_286 = arith.select %gt3A_276, %broadcast_in_dim3A_285, %select_n3A_257 : vector<1024x128xi1>, vector<1024x128xi32>
    %select_n3A_287 = arith.select %gt3A_275, %select_n3A_260, %select_n3A_286 : vector<1024x128xi1>, vector<1024x128xi32>
    %select_n3A_288 = arith.select %gt3A_275, %select_n3A_274, %select_n3A_258 : vector<1024x128xi1>, vector<1024x128xf32>
    %broadcast_in_dim3A_289 = vector.broadcast %add3A_265 : i32 to vector<1024x128xi32>
    %select_n3A_290 = arith.select %gt3A_275, %broadcast_in_dim3A_289, %select_n3A_260 : vector<1024x128xi1>, vector<1024x128xi32>
    %slice3A_291 = vector.extract_strided_slice %dot_general3A_9 {offsets = [0, 1152], sizes = [1024, 128], strides = [1, 1]} : vector<1024x2048xf32> to vector<1024x128xf32>
    %mul3A_292 = arith.constant 16 : i32
    %mul3A_293 = arith.muli %arg0, %mul3A_292 : i32
    %add3A_294 = arith.constant 9 : i32
    %add3A_295 = arith.addi %mul3A_293, %add3A_294 : i32
    %mul3A_296 = arith.constant 128 : i32
    %mul3A_297 = arith.muli %add3A_295, %mul3A_296 : i32
    %sub3A_298 = arith.constant 100000 : i32
    %sub3A_299 = arith.subi %sub3A_298, %mul3A_297 : i32
    %lt3A_300 = vector.broadcast %sub3A_299 : i32 to vector<1024x128xi32>
    %lt3A_301 = arith.cmpi slt, %iota3A, %lt3A_300 : vector<1024x128xi32>
    %jit3A_302 = arith.constant 0xFF800000 : f32
    %broadcast_in_dim3A_303 = vector.broadcast %jit3A_302 : f32 to vector<1024x128xf32>
    %select_n3A_304 = arith.select %lt3A_301, %slice3A_291, %broadcast_in_dim3A_303 : vector<1024x128xi1>, vector<1024x128xf32>
    %gt3A_305 = arith.cmpf ogt, %select_n3A_304, %select_n3A_288 : vector<1024x128xf32>
    %gt3A_306 = arith.cmpf ogt, %select_n3A_304, %select_n3A_284 : vector<1024x128xf32>
    %gt3A_307 = arith.cmpf ogt, %select_n3A_304, %select_n3A_279 : vector<1024x128xf32>
    %select_n3A_308 = arith.select %gt3A_307, %select_n3A_304, %select_n3A_279 : vector<1024x128xi1>, vector<1024x128xf32>
    %select_n3A_309 = arith.select %gt3A_306, %select_n3A_284, %select_n3A_308 : vector<1024x128xi1>, vector<1024x128xf32>
    %broadcast_in_dim3A_310 = vector.broadcast %add3A_295 : i32 to vector<1024x128xi32>
    %select_n3A_311 = arith.select %gt3A_307, %broadcast_in_dim3A_310, %select_n3A_282 : vector<1024x128xi1>, vector<1024x128xi32>
    %select_n3A_312 = arith.select %gt3A_306, %select_n3A_287, %select_n3A_311 : vector<1024x128xi1>, vector<1024x128xi32>
    %select_n3A_313 = arith.select %gt3A_306, %select_n3A_304, %select_n3A_284 : vector<1024x128xi1>, vector<1024x128xf32>
    %select_n3A_314 = arith.select %gt3A_305, %select_n3A_288, %select_n3A_313 : vector<1024x128xi1>, vector<1024x128xf32>
    %broadcast_in_dim3A_315 = vector.broadcast %add3A_295 : i32 to vector<1024x128xi32>
    %select_n3A_316 = arith.select %gt3A_306, %broadcast_in_dim3A_315, %select_n3A_287 : vector<1024x128xi1>, vector<1024x128xi32>
    %select_n3A_317 = arith.select %gt3A_305, %select_n3A_290, %select_n3A_316 : vector<1024x128xi1>, vector<1024x128xi32>
    %select_n3A_318 = arith.select %gt3A_305, %select_n3A_304, %select_n3A_288 : vector<1024x128xi1>, vector<1024x128xf32>
    %broadcast_in_dim3A_319 = vector.broadcast %add3A_295 : i32 to vector<1024x128xi32>
    %select_n3A_320 = arith.select %gt3A_305, %broadcast_in_dim3A_319, %select_n3A_290 : vector<1024x128xi1>, vector<1024x128xi32>
    %slice3A_321 = vector.extract_strided_slice %dot_general3A_9 {offsets = [0, 1280], sizes = [1024, 128], strides = [1, 1]} : vector<1024x2048xf32> to vector<1024x128xf32>
    %mul3A_322 = arith.constant 16 : i32
    %mul3A_323 = arith.muli %arg0, %mul3A_322 : i32
    %add3A_324 = arith.constant 10 : i32
    %add3A_325 = arith.addi %mul3A_323, %add3A_324 : i32
    %mul3A_326 = arith.constant 128 : i32
    %mul3A_327 = arith.muli %add3A_325, %mul3A_326 : i32
    %sub3A_328 = arith.constant 100000 : i32
    %sub3A_329 = arith.subi %sub3A_328, %mul3A_327 : i32
    %lt3A_330 = vector.broadcast %sub3A_329 : i32 to vector<1024x128xi32>
    %lt3A_331 = arith.cmpi slt, %iota3A, %lt3A_330 : vector<1024x128xi32>
    %jit3A_332 = arith.constant 0xFF800000 : f32
    %broadcast_in_dim3A_333 = vector.broadcast %jit3A_332 : f32 to vector<1024x128xf32>
    %select_n3A_334 = arith.select %lt3A_331, %slice3A_321, %broadcast_in_dim3A_333 : vector<1024x128xi1>, vector<1024x128xf32>
    %gt3A_335 = arith.cmpf ogt, %select_n3A_334, %select_n3A_318 : vector<1024x128xf32>
    %gt3A_336 = arith.cmpf ogt, %select_n3A_334, %select_n3A_314 : vector<1024x128xf32>
    %gt3A_337 = arith.cmpf ogt, %select_n3A_334, %select_n3A_309 : vector<1024x128xf32>
    %select_n3A_338 = arith.select %gt3A_337, %select_n3A_334, %select_n3A_309 : vector<1024x128xi1>, vector<1024x128xf32>
    %select_n3A_339 = arith.select %gt3A_336, %select_n3A_314, %select_n3A_338 : vector<1024x128xi1>, vector<1024x128xf32>
    %broadcast_in_dim3A_340 = vector.broadcast %add3A_325 : i32 to vector<1024x128xi32>
    %select_n3A_341 = arith.select %gt3A_337, %broadcast_in_dim3A_340, %select_n3A_312 : vector<1024x128xi1>, vector<1024x128xi32>
    %select_n3A_342 = arith.select %gt3A_336, %select_n3A_317, %select_n3A_341 : vector<1024x128xi1>, vector<1024x128xi32>
    %select_n3A_343 = arith.select %gt3A_336, %select_n3A_334, %select_n3A_314 : vector<1024x128xi1>, vector<1024x128xf32>
    %select_n3A_344 = arith.select %gt3A_335, %select_n3A_318, %select_n3A_343 : vector<1024x128xi1>, vector<1024x128xf32>
    %broadcast_in_dim3A_345 = vector.broadcast %add3A_325 : i32 to vector<1024x128xi32>
    %select_n3A_346 = arith.select %gt3A_336, %broadcast_in_dim3A_345, %select_n3A_317 : vector<1024x128xi1>, vector<1024x128xi32>
    %select_n3A_347 = arith.select %gt3A_335, %select_n3A_320, %select_n3A_346 : vector<1024x128xi1>, vector<1024x128xi32>
    %select_n3A_348 = arith.select %gt3A_335, %select_n3A_334, %select_n3A_318 : vector<1024x128xi1>, vector<1024x128xf32>
    %broadcast_in_dim3A_349 = vector.broadcast %add3A_325 : i32 to vector<1024x128xi32>
    %select_n3A_350 = arith.select %gt3A_335, %broadcast_in_dim3A_349, %select_n3A_320 : vector<1024x128xi1>, vector<1024x128xi32>
    %slice3A_351 = vector.extract_strided_slice %dot_general3A_9 {offsets = [0, 1408], sizes = [1024, 128], strides = [1, 1]} : vector<1024x2048xf32> to vector<1024x128xf32>
    %mul3A_352 = arith.constant 16 : i32
    %mul3A_353 = arith.muli %arg0, %mul3A_352 : i32
    %add3A_354 = arith.constant 11 : i32
    %add3A_355 = arith.addi %mul3A_353, %add3A_354 : i32
    %mul3A_356 = arith.constant 128 : i32
    %mul3A_357 = arith.muli %add3A_355, %mul3A_356 : i32
    %sub3A_358 = arith.constant 100000 : i32
    %sub3A_359 = arith.subi %sub3A_358, %mul3A_357 : i32
    %lt3A_360 = vector.broadcast %sub3A_359 : i32 to vector<1024x128xi32>
    %lt3A_361 = arith.cmpi slt, %iota3A, %lt3A_360 : vector<1024x128xi32>
    %jit3A_362 = arith.constant 0xFF800000 : f32
    %broadcast_in_dim3A_363 = vector.broadcast %jit3A_362 : f32 to vector<1024x128xf32>
    %select_n3A_364 = arith.select %lt3A_361, %slice3A_351, %broadcast_in_dim3A_363 : vector<1024x128xi1>, vector<1024x128xf32>
    %gt3A_365 = arith.cmpf ogt, %select_n3A_364, %select_n3A_348 : vector<1024x128xf32>
    %gt3A_366 = arith.cmpf ogt, %select_n3A_364, %select_n3A_344 : vector<1024x128xf32>
    %gt3A_367 = arith.cmpf ogt, %select_n3A_364, %select_n3A_339 : vector<1024x128xf32>
    %select_n3A_368 = arith.select %gt3A_367, %select_n3A_364, %select_n3A_339 : vector<1024x128xi1>, vector<1024x128xf32>
    %select_n3A_369 = arith.select %gt3A_366, %select_n3A_344, %select_n3A_368 : vector<1024x128xi1>, vector<1024x128xf32>
    %broadcast_in_dim3A_370 = vector.broadcast %add3A_355 : i32 to vector<1024x128xi32>
    %select_n3A_371 = arith.select %gt3A_367, %broadcast_in_dim3A_370, %select_n3A_342 : vector<1024x128xi1>, vector<1024x128xi32>
    %select_n3A_372 = arith.select %gt3A_366, %select_n3A_347, %select_n3A_371 : vector<1024x128xi1>, vector<1024x128xi32>
    %select_n3A_373 = arith.select %gt3A_366, %select_n3A_364, %select_n3A_344 : vector<1024x128xi1>, vector<1024x128xf32>
    %select_n3A_374 = arith.select %gt3A_365, %select_n3A_348, %select_n3A_373 : vector<1024x128xi1>, vector<1024x128xf32>
    %broadcast_in_dim3A_375 = vector.broadcast %add3A_355 : i32 to vector<1024x128xi32>
    %select_n3A_376 = arith.select %gt3A_366, %broadcast_in_dim3A_375, %select_n3A_347 : vector<1024x128xi1>, vector<1024x128xi32>
    %select_n3A_377 = arith.select %gt3A_365, %select_n3A_350, %select_n3A_376 : vector<1024x128xi1>, vector<1024x128xi32>
    %select_n3A_378 = arith.select %gt3A_365, %select_n3A_364, %select_n3A_348 : vector<1024x128xi1>, vector<1024x128xf32>
    %broadcast_in_dim3A_379 = vector.broadcast %add3A_355 : i32 to vector<1024x128xi32>
    %select_n3A_380 = arith.select %gt3A_365, %broadcast_in_dim3A_379, %select_n3A_350 : vector<1024x128xi1>, vector<1024x128xi32>
    %slice3A_381 = vector.extract_strided_slice %dot_general3A_9 {offsets = [0, 1536], sizes = [1024, 128], strides = [1, 1]} : vector<1024x2048xf32> to vector<1024x128xf32>
    %mul3A_382 = arith.constant 16 : i32
    %mul3A_383 = arith.muli %arg0, %mul3A_382 : i32
    %add3A_384 = arith.constant 12 : i32
    %add3A_385 = arith.addi %mul3A_383, %add3A_384 : i32
    %mul3A_386 = arith.constant 128 : i32
    %mul3A_387 = arith.muli %add3A_385, %mul3A_386 : i32
    %sub3A_388 = arith.constant 100000 : i32
    %sub3A_389 = arith.subi %sub3A_388, %mul3A_387 : i32
    %lt3A_390 = vector.broadcast %sub3A_389 : i32 to vector<1024x128xi32>
    %lt3A_391 = arith.cmpi slt, %iota3A, %lt3A_390 : vector<1024x128xi32>
    %jit3A_392 = arith.constant 0xFF800000 : f32
    %broadcast_in_dim3A_393 = vector.broadcast %jit3A_392 : f32 to vector<1024x128xf32>
    %select_n3A_394 = arith.select %lt3A_391, %slice3A_381, %broadcast_in_dim3A_393 : vector<1024x128xi1>, vector<1024x128xf32>
    %gt3A_395 = arith.cmpf ogt, %select_n3A_394, %select_n3A_378 : vector<1024x128xf32>
    %gt3A_396 = arith.cmpf ogt, %select_n3A_394, %select_n3A_374 : vector<1024x128xf32>
    %gt3A_397 = arith.cmpf ogt, %select_n3A_394, %select_n3A_369 : vector<1024x128xf32>
    %select_n3A_398 = arith.select %gt3A_397, %select_n3A_394, %select_n3A_369 : vector<1024x128xi1>, vector<1024x128xf32>
    %select_n3A_399 = arith.select %gt3A_396, %select_n3A_374, %select_n3A_398 : vector<1024x128xi1>, vector<1024x128xf32>
    %broadcast_in_dim3A_400 = vector.broadcast %add3A_385 : i32 to vector<1024x128xi32>
    %select_n3A_401 = arith.select %gt3A_397, %broadcast_in_dim3A_400, %select_n3A_372 : vector<1024x128xi1>, vector<1024x128xi32>
    %select_n3A_402 = arith.select %gt3A_396, %select_n3A_377, %select_n3A_401 : vector<1024x128xi1>, vector<1024x128xi32>
    %select_n3A_403 = arith.select %gt3A_396, %select_n3A_394, %select_n3A_374 : vector<1024x128xi1>, vector<1024x128xf32>
    %select_n3A_404 = arith.select %gt3A_395, %select_n3A_378, %select_n3A_403 : vector<1024x128xi1>, vector<1024x128xf32>
    %broadcast_in_dim3A_405 = vector.broadcast %add3A_385 : i32 to vector<1024x128xi32>
    %select_n3A_406 = arith.select %gt3A_396, %broadcast_in_dim3A_405, %select_n3A_377 : vector<1024x128xi1>, vector<1024x128xi32>
    %select_n3A_407 = arith.select %gt3A_395, %select_n3A_380, %select_n3A_406 : vector<1024x128xi1>, vector<1024x128xi32>
    %select_n3A_408 = arith.select %gt3A_395, %select_n3A_394, %select_n3A_378 : vector<1024x128xi1>, vector<1024x128xf32>
    %broadcast_in_dim3A_409 = vector.broadcast %add3A_385 : i32 to vector<1024x128xi32>
    %select_n3A_410 = arith.select %gt3A_395, %broadcast_in_dim3A_409, %select_n3A_380 : vector<1024x128xi1>, vector<1024x128xi32>
    %slice3A_411 = vector.extract_strided_slice %dot_general3A_9 {offsets = [0, 1664], sizes = [1024, 128], strides = [1, 1]} : vector<1024x2048xf32> to vector<1024x128xf32>
    %mul3A_412 = arith.constant 16 : i32
    %mul3A_413 = arith.muli %arg0, %mul3A_412 : i32
    %add3A_414 = arith.constant 13 : i32
    %add3A_415 = arith.addi %mul3A_413, %add3A_414 : i32
    %mul3A_416 = arith.constant 128 : i32
    %mul3A_417 = arith.muli %add3A_415, %mul3A_416 : i32
    %sub3A_418 = arith.constant 100000 : i32
    %sub3A_419 = arith.subi %sub3A_418, %mul3A_417 : i32
    %lt3A_420 = vector.broadcast %sub3A_419 : i32 to vector<1024x128xi32>
    %lt3A_421 = arith.cmpi slt, %iota3A, %lt3A_420 : vector<1024x128xi32>
    %jit3A_422 = arith.constant 0xFF800000 : f32
    %broadcast_in_dim3A_423 = vector.broadcast %jit3A_422 : f32 to vector<1024x128xf32>
    %select_n3A_424 = arith.select %lt3A_421, %slice3A_411, %broadcast_in_dim3A_423 : vector<1024x128xi1>, vector<1024x128xf32>
    %gt3A_425 = arith.cmpf ogt, %select_n3A_424, %select_n3A_408 : vector<1024x128xf32>
    %gt3A_426 = arith.cmpf ogt, %select_n3A_424, %select_n3A_404 : vector<1024x128xf32>
    %gt3A_427 = arith.cmpf ogt, %select_n3A_424, %select_n3A_399 : vector<1024x128xf32>
    %select_n3A_428 = arith.select %gt3A_427, %select_n3A_424, %select_n3A_399 : vector<1024x128xi1>, vector<1024x128xf32>
    %select_n3A_429 = arith.select %gt3A_426, %select_n3A_404, %select_n3A_428 : vector<1024x128xi1>, vector<1024x128xf32>
    %broadcast_in_dim3A_430 = vector.broadcast %add3A_415 : i32 to vector<1024x128xi32>
    %select_n3A_431 = arith.select %gt3A_427, %broadcast_in_dim3A_430, %select_n3A_402 : vector<1024x128xi1>, vector<1024x128xi32>
    %select_n3A_432 = arith.select %gt3A_426, %select_n3A_407, %select_n3A_431 : vector<1024x128xi1>, vector<1024x128xi32>
    %select_n3A_433 = arith.select %gt3A_426, %select_n3A_424, %select_n3A_404 : vector<1024x128xi1>, vector<1024x128xf32>
    %select_n3A_434 = arith.select %gt3A_425, %select_n3A_408, %select_n3A_433 : vector<1024x128xi1>, vector<1024x128xf32>
    %broadcast_in_dim3A_435 = vector.broadcast %add3A_415 : i32 to vector<1024x128xi32>
    %select_n3A_436 = arith.select %gt3A_426, %broadcast_in_dim3A_435, %select_n3A_407 : vector<1024x128xi1>, vector<1024x128xi32>
    %select_n3A_437 = arith.select %gt3A_425, %select_n3A_410, %select_n3A_436 : vector<1024x128xi1>, vector<1024x128xi32>
    %select_n3A_438 = arith.select %gt3A_425, %select_n3A_424, %select_n3A_408 : vector<1024x128xi1>, vector<1024x128xf32>
    %broadcast_in_dim3A_439 = vector.broadcast %add3A_415 : i32 to vector<1024x128xi32>
    %select_n3A_440 = arith.select %gt3A_425, %broadcast_in_dim3A_439, %select_n3A_410 : vector<1024x128xi1>, vector<1024x128xi32>
    %slice3A_441 = vector.extract_strided_slice %dot_general3A_9 {offsets = [0, 1792], sizes = [1024, 128], strides = [1, 1]} : vector<1024x2048xf32> to vector<1024x128xf32>
    %mul3A_442 = arith.constant 16 : i32
    %mul3A_443 = arith.muli %arg0, %mul3A_442 : i32
    %add3A_444 = arith.constant 14 : i32
    %add3A_445 = arith.addi %mul3A_443, %add3A_444 : i32
    %mul3A_446 = arith.constant 128 : i32
    %mul3A_447 = arith.muli %add3A_445, %mul3A_446 : i32
    %sub3A_448 = arith.constant 100000 : i32
    %sub3A_449 = arith.subi %sub3A_448, %mul3A_447 : i32
    %lt3A_450 = vector.broadcast %sub3A_449 : i32 to vector<1024x128xi32>
    %lt3A_451 = arith.cmpi slt, %iota3A, %lt3A_450 : vector<1024x128xi32>
    %jit3A_452 = arith.constant 0xFF800000 : f32
    %broadcast_in_dim3A_453 = vector.broadcast %jit3A_452 : f32 to vector<1024x128xf32>
    %select_n3A_454 = arith.select %lt3A_451, %slice3A_441, %broadcast_in_dim3A_453 : vector<1024x128xi1>, vector<1024x128xf32>
    %gt3A_455 = arith.cmpf ogt, %select_n3A_454, %select_n3A_438 : vector<1024x128xf32>
    %gt3A_456 = arith.cmpf ogt, %select_n3A_454, %select_n3A_434 : vector<1024x128xf32>
    %gt3A_457 = arith.cmpf ogt, %select_n3A_454, %select_n3A_429 : vector<1024x128xf32>
    %select_n3A_458 = arith.select %gt3A_457, %select_n3A_454, %select_n3A_429 : vector<1024x128xi1>, vector<1024x128xf32>
    %select_n3A_459 = arith.select %gt3A_456, %select_n3A_434, %select_n3A_458 : vector<1024x128xi1>, vector<1024x128xf32>
    %broadcast_in_dim3A_460 = vector.broadcast %add3A_445 : i32 to vector<1024x128xi32>
    %select_n3A_461 = arith.select %gt3A_457, %broadcast_in_dim3A_460, %select_n3A_432 : vector<1024x128xi1>, vector<1024x128xi32>
    %select_n3A_462 = arith.select %gt3A_456, %select_n3A_437, %select_n3A_461 : vector<1024x128xi1>, vector<1024x128xi32>
    %select_n3A_463 = arith.select %gt3A_456, %select_n3A_454, %select_n3A_434 : vector<1024x128xi1>, vector<1024x128xf32>
    %select_n3A_464 = arith.select %gt3A_455, %select_n3A_438, %select_n3A_463 : vector<1024x128xi1>, vector<1024x128xf32>
    %broadcast_in_dim3A_465 = vector.broadcast %add3A_445 : i32 to vector<1024x128xi32>
    %select_n3A_466 = arith.select %gt3A_456, %broadcast_in_dim3A_465, %select_n3A_437 : vector<1024x128xi1>, vector<1024x128xi32>
    %select_n3A_467 = arith.select %gt3A_455, %select_n3A_440, %select_n3A_466 : vector<1024x128xi1>, vector<1024x128xi32>
    %select_n3A_468 = arith.select %gt3A_455, %select_n3A_454, %select_n3A_438 : vector<1024x128xi1>, vector<1024x128xf32>
    %broadcast_in_dim3A_469 = vector.broadcast %add3A_445 : i32 to vector<1024x128xi32>
    %select_n3A_470 = arith.select %gt3A_455, %broadcast_in_dim3A_469, %select_n3A_440 : vector<1024x128xi1>, vector<1024x128xi32>
    %slice3A_471 = vector.extract_strided_slice %dot_general3A_9 {offsets = [0, 1920], sizes = [1024, 128], strides = [1, 1]} : vector<1024x2048xf32> to vector<1024x128xf32>
    %mul3A_472 = arith.constant 16 : i32
    %mul3A_473 = arith.muli %arg0, %mul3A_472 : i32
    %add3A_474 = arith.constant 15 : i32
    %add3A_475 = arith.addi %mul3A_473, %add3A_474 : i32
    %mul3A_476 = arith.constant 128 : i32
    %mul3A_477 = arith.muli %add3A_475, %mul3A_476 : i32
    %sub3A_478 = arith.constant 100000 : i32
    %sub3A_479 = arith.subi %sub3A_478, %mul3A_477 : i32
    %lt3A_480 = vector.broadcast %sub3A_479 : i32 to vector<1024x128xi32>
    %lt3A_481 = arith.cmpi slt, %iota3A, %lt3A_480 : vector<1024x128xi32>
    %jit3A_482 = arith.constant 0xFF800000 : f32
    %broadcast_in_dim3A_483 = vector.broadcast %jit3A_482 : f32 to vector<1024x128xf32>
    %select_n3A_484 = arith.select %lt3A_481, %slice3A_471, %broadcast_in_dim3A_483 : vector<1024x128xi1>, vector<1024x128xf32>
    %gt3A_485 = arith.cmpf ogt, %select_n3A_484, %select_n3A_468 : vector<1024x128xf32>
    %gt3A_486 = arith.cmpf ogt, %select_n3A_484, %select_n3A_464 : vector<1024x128xf32>
    %gt3A_487 = arith.cmpf ogt, %select_n3A_484, %select_n3A_459 : vector<1024x128xf32>
    %select_n3A_488 = arith.select %gt3A_487, %select_n3A_484, %select_n3A_459 : vector<1024x128xi1>, vector<1024x128xf32>
    %select_n3A_489 = arith.select %gt3A_486, %select_n3A_464, %select_n3A_488 : vector<1024x128xi1>, vector<1024x128xf32>
    %broadcast_in_dim3A_490 = vector.broadcast %add3A_475 : i32 to vector<1024x128xi32>
    %select_n3A_491 = arith.select %gt3A_487, %broadcast_in_dim3A_490, %select_n3A_462 : vector<1024x128xi1>, vector<1024x128xi32>
    %select_n3A_492 = arith.select %gt3A_486, %select_n3A_467, %select_n3A_491 : vector<1024x128xi1>, vector<1024x128xi32>
    %select_n3A_493 = arith.select %gt3A_486, %select_n3A_484, %select_n3A_464 : vector<1024x128xi1>, vector<1024x128xf32>
    %select_n3A_494 = arith.select %gt3A_485, %select_n3A_468, %select_n3A_493 : vector<1024x128xi1>, vector<1024x128xf32>
    %broadcast_in_dim3A_495 = vector.broadcast %add3A_475 : i32 to vector<1024x128xi32>
    %select_n3A_496 = arith.select %gt3A_486, %broadcast_in_dim3A_495, %select_n3A_467 : vector<1024x128xi1>, vector<1024x128xi32>
    %select_n3A_497 = arith.select %gt3A_485, %select_n3A_470, %select_n3A_496 : vector<1024x128xi1>, vector<1024x128xi32>
    %select_n3A_498 = arith.select %gt3A_485, %select_n3A_484, %select_n3A_468 : vector<1024x128xi1>, vector<1024x128xf32>
    %broadcast_in_dim3A_499 = vector.broadcast %add3A_475 : i32 to vector<1024x128xi32>
    %select_n3A_500 = arith.select %gt3A_485, %broadcast_in_dim3A_499, %select_n3A_470 : vector<1024x128xi1>, vector<1024x128xi32>
    %swap3A = arith.constant 0 : index
    %swap3A_501 = arith.constant 0 : index
    %swap3A_502 = vector.load %arg6[%swap3A, %swap3A_501] : memref<1024x128xf32, #tpu.memory_space<vmem>>, vector<1024x128xf32>
    tpu.vector_store %arg6[%swap3A, %swap3A_501], %select_n3A_498 {strides = array<i32>} : memref<1024x128xf32, #tpu.memory_space<vmem>>, vector<1024x128xf32>,
    %swap3A_503 = arith.constant 0 : index
    %swap3A_504 = arith.constant 0 : index
    %swap3A_505 = vector.load %arg7[%swap3A_503, %swap3A_504] : memref<1024x128xf32, #tpu.memory_space<vmem>>, vector<1024x128xf32>
    tpu.vector_store %arg7[%swap3A_503, %swap3A_504], %select_n3A_494 {strides = array<i32>} : memref<1024x128xf32, #tpu.memory_space<vmem>>, vector<1024x128xf32>,
    %swap3A_506 = arith.constant 0 : index
    %swap3A_507 = arith.constant 0 : index
    %swap3A_508 = vector.load %arg8[%swap3A_506, %swap3A_507] : memref<1024x128xf32, #tpu.memory_space<vmem>>, vector<1024x128xf32>
    tpu.vector_store %arg8[%swap3A_506, %swap3A_507], %select_n3A_489 {strides = array<i32>} : memref<1024x128xf32, #tpu.memory_space<vmem>>, vector<1024x128xf32>,
    %swap3A_509 = arith.constant 0 : index
    %swap3A_510 = arith.constant 0 : index
    %swap3A_511 = vector.load %arg9[%swap3A_509, %swap3A_510] : memref<1024x128xi32, #tpu.memory_space<vmem>>, vector<1024x128xi32>
    tpu.vector_store %arg9[%swap3A_509, %swap3A_510], %select_n3A_500 {strides = array<i32>} : memref<1024x128xi32, #tpu.memory_space<vmem>>, vector<1024x128xi32>,
    %swap3A_512 = arith.constant 0 : index
    %swap3A_513 = arith.constant 0 : index
    %swap3A_514 = vector.load %arg10[%swap3A_512, %swap3A_513] : memref<1024x128xi32, #tpu.memory_space<vmem>>, vector<1024x128xi32>
    tpu.vector_store %arg10[%swap3A_512, %swap3A_513], %select_n3A_497 {strides = array<i32>} : memref<1024x128xi32, #tpu.memory_space<vmem>>, vector<1024x128xi32>,
    %swap3A_515 = arith.constant 0 : index
    %swap3A_516 = arith.constant 0 : index
    %swap3A_517 = vector.load %arg11[%swap3A_515, %swap3A_516] : memref<1024x128xi32, #tpu.memory_space<vmem>>, vector<1024x128xi32>
    tpu.vector_store %arg11[%swap3A_515, %swap3A_516], %select_n3A_492 {strides = array<i32>} : memref<1024x128xi32, #tpu.memory_space<vmem>>, vector<1024x128xi32>,
    %eq3A_518 = arith.constant 48 : i32
    %eq3A_519 = arith.cmpi eq, %arg0, %eq3A_518 : i32
    %convert_element_type3A_520 = arith.extui %eq3A_519 : i1 to i32
    %cond3A_521 = arith.constant 0 : i32
    %cond3A_522 = arith.cmpi ne, %convert_element_type3A_520, %cond3A_521 : i32
    scf.if %cond3A_522 {
      %get3A_523 = arith.constant 0 : index
      %get3A_524 = arith.constant 0 : index
      %get3A_525 = vector.load %arg6[%get3A_523, %get3A_524] : memref<1024x128xf32, #tpu.memory_space<vmem>>, vector<1024x128xf32>
      %get3A_526 = arith.constant 0 : index
      %get3A_527 = arith.constant 0 : index
      %get3A_528 = vector.load %arg7[%get3A_526, %get3A_527] : memref<1024x128xf32, #tpu.memory_space<vmem>>, vector<1024x128xf32>
      %get3A_529 = arith.constant 0 : index
      %get3A_530 = arith.constant 0 : index
      %get3A_531 = vector.load %arg8[%get3A_529, %get3A_530] : memref<1024x128xf32, #tpu.memory_space<vmem>>, vector<1024x128xf32>
      %concatenate3A = tpu.concatenate %get3A_525, %get3A_528, %get3A_531 in 1 : vector<1024x128xf32>, vector<1024x128xf32>, vector<1024x128xf32> -> vector<1024x384xf32>
      %get3A_532 = arith.constant 0 : index
      %get3A_533 = arith.constant 0 : index
      %get3A_534 = vector.load %arg9[%get3A_532, %get3A_533] : memref<1024x128xi32, #tpu.memory_space<vmem>>, vector<1024x128xi32>
      %get3A_535 = arith.constant 0 : index
      %get3A_536 = arith.constant 0 : index
      %get3A_537 = vector.load %arg10[%get3A_535, %get3A_536] : memref<1024x128xi32, #tpu.memory_space<vmem>>, vector<1024x128xi32>
      %get3A_538 = arith.constant 0 : index
      %get3A_539 = arith.constant 0 : index
      %get3A_540 = vector.load %arg11[%get3A_538, %get3A_539] : memref<1024x128xi32, #tpu.memory_space<vmem>>, vector<1024x128xi32>
      %concatenate3A_541 = tpu.concatenate %get3A_534, %get3A_537, %get3A_540 in 1 : vector<1024x128xi32>, vector<1024x128xi32>, vector<1024x128xi32> -> vector<1024x384xi32>
      %iota3A_542 = tpu.iota {dimensions = array<i32: 1>} : vector<1024x384xi32>
      %and3A = arith.constant 127 : i32
      %and3A_543 = vector.broadcast %and3A : i32 to vector<1024x384xi32>
      %and3A_544 = arith.andi %iota3A_542, %and3A_543 : vector<1024x384xi32>
      %mul3A_545 = arith.constant 128 : i32
      %mul3A_546 = vector.broadcast %mul3A_545 : i32 to vector<1024x384xi32>
      %mul3A_547 = arith.muli %concatenate3A_541, %mul3A_546 : vector<1024x384xi32>
      %add3A_548 = arith.addi %mul3A_547, %and3A_544 : vector<1024x384xi32>
      %reduce_max3A = arith.constant dense<0xFF800000> : vector<1024xf32>
      %reduce_max3A_549 = vector.multi_reduction <maximumf>, %concatenate3A, %reduce_max3A [1] : vector<1024x384xf32> to vector<1024xf32>
      %broadcast_in_dim3A_550 = vector.shape_cast %reduce_max3A_549 : vector<1024xf32> to vector<1024x1xf32>
      %eq3A_551 = vector.broadcast %broadcast_in_dim3A_550 : vector<1024x1xf32> to vector<1024x384xf32>
      %eq3A_552 = arith.cmpf oeq, %concatenate3A, %eq3A_551 : vector<1024x384xf32>
      %jit3A_553 = arith.constant 1073741824 : i32
      %broadcast_in_dim3A_554 = vector.broadcast %jit3A_553 : i32 to vector<1024x384xi32>
      %select_n3A_555 = arith.select %eq3A_552, %add3A_548, %broadcast_in_dim3A_554 : vector<1024x384xi1>, vector<1024x384xi32>
      %reduce_min3A = arith.constant dense<2147483647> : vector<1024xi32>
      %reduce_min3A_556 = vector.multi_reduction <minsi>, %select_n3A_555, %reduce_min3A [1] : vector<1024x384xi32> to vector<1024xi32>
      %broadcast_in_dim3A_557 = vector.shape_cast %reduce_min3A_556 : vector<1024xi32> to vector<1024x1xi32>
      %swap3A_558 = arith.constant 0 : index
      %swap3A_559 = arith.constant 0 : index
      %swap3A_560 = vector.load %arg3[%swap3A_558, %swap3A_559] : memref<1024x3xf32, #tpu.memory_space<vmem>>, vector<1024x1xf32>
      tpu.vector_store %arg3[%swap3A_558, %swap3A_559], %broadcast_in_dim3A_550 {strides = array<i32>} : memref<1024x3xf32, #tpu.memory_space<vmem>>, vector<1024x1xf32>,
      %swap3A_561 = arith.constant 0 : index
      %swap3A_562 = arith.constant 0 : index
      %swap3A_563 = vector.load %arg4[%swap3A_561, %swap3A_562] : memref<1024x3xi32, #tpu.memory_space<vmem>>, vector<1024x1xi32>
      tpu.vector_store %arg4[%swap3A_561, %swap3A_562], %broadcast_in_dim3A_557 {strides = array<i32>} : memref<1024x3xi32, #tpu.memory_space<vmem>>, vector<1024x1xi32>,
      %eq3A_564 = vector.broadcast %broadcast_in_dim3A_557 : vector<1024x1xi32> to vector<1024x384xi32>
      %eq3A_565 = arith.cmpi eq, %add3A_548, %eq3A_564 : vector<1024x384xi32>
      %and3A_566 = arith.andi %eq3A_552, %eq3A_565 : vector<1024x384xi1>
      %jit3A_567 = arith.constant 0xFF800000 : f32
      %broadcast_in_dim3A_568 = vector.broadcast %jit3A_567 : f32 to vector<1024x384xf32>
      %select_n3A_569 = arith.select %and3A_566, %broadcast_in_dim3A_568, %concatenate3A : vector<1024x384xi1>, vector<1024x384xf32>
      %reduce_max3A_570 = arith.constant dense<0xFF800000> : vector<1024xf32>
      %reduce_max3A_571 = vector.multi_reduction <maximumf>, %select_n3A_569, %reduce_max3A_570 [1] : vector<1024x384xf32> to vector<1024xf32>
      %broadcast_in_dim3A_572 = vector.shape_cast %reduce_max3A_571 : vector<1024xf32> to vector<1024x1xf32>
      %eq3A_573 = vector.broadcast %broadcast_in_dim3A_572 : vector<1024x1xf32> to vector<1024x384xf32>
      %eq3A_574 = arith.cmpf oeq, %select_n3A_569, %eq3A_573 : vector<1024x384xf32>
      %jit3A_575 = arith.constant 1073741824 : i32
      %broadcast_in_dim3A_576 = vector.broadcast %jit3A_575 : i32 to vector<1024x384xi32>
      %select_n3A_577 = arith.select %eq3A_574, %add3A_548, %broadcast_in_dim3A_576 : vector<1024x384xi1>, vector<1024x384xi32>
      %reduce_min3A_578 = arith.constant dense<2147483647> : vector<1024xi32>
      %reduce_min3A_579 = vector.multi_reduction <minsi>, %select_n3A_577, %reduce_min3A_578 [1] : vector<1024x384xi32> to vector<1024xi32>
      %broadcast_in_dim3A_580 = vector.shape_cast %reduce_min3A_579 : vector<1024xi32> to vector<1024x1xi32>
      %swap3A_581 = arith.constant 0 : index
      %swap3A_582 = arith.constant 1 : index
      %swap3A_583 = vector.load %arg3[%swap3A_581, %swap3A_582] : memref<1024x3xf32, #tpu.memory_space<vmem>>, vector<1024x1xf32>
      tpu.vector_store %arg3[%swap3A_581, %swap3A_582], %broadcast_in_dim3A_572 {strides = array<i32>} : memref<1024x3xf32, #tpu.memory_space<vmem>>, vector<1024x1xf32>,
      %swap3A_584 = arith.constant 0 : index
      %swap3A_585 = arith.constant 1 : index
      %swap3A_586 = vector.load %arg4[%swap3A_584, %swap3A_585] : memref<1024x3xi32, #tpu.memory_space<vmem>>, vector<1024x1xi32>
      tpu.vector_store %arg4[%swap3A_584, %swap3A_585], %broadcast_in_dim3A_580 {strides = array<i32>} : memref<1024x3xi32, #tpu.memory_space<vmem>>, vector<1024x1xi32>,
      %eq3A_587 = vector.broadcast %broadcast_in_dim3A_580 : vector<1024x1xi32> to vector<1024x384xi32>
      %eq3A_588 = arith.cmpi eq, %add3A_548, %eq3A_587 : vector<1024x384xi32>
      %and3A_589 = arith.andi %eq3A_574, %eq3A_588 : vector<1024x384xi1>
      %jit3A_590 = arith.constant 0xFF800000 : f32
      %broadcast_in_dim3A_591 = vector.broadcast %jit3A_590 : f32 to vector<1024x384xf32>
      %select_n3A_592 = arith.select %and3A_589, %broadcast_in_dim3A_591, %select_n3A_569 : vector<1024x384xi1>, vector<1024x384xf32>
      %reduce_max3A_593 = arith.constant dense<0xFF800000> : vector<1024xf32>
      %reduce_max3A_594 = vector.multi_reduction <maximumf>, %select_n3A_592, %reduce_max3A_593 [1] : vector<1024x384xf32> to vector<1024xf32>
      %broadcast_in_dim3A_595 = vector.shape_cast %reduce_max3A_594 : vector<1024xf32> to vector<1024x1xf32>
      %eq3A_596 = vector.broadcast %broadcast_in_dim3A_595 : vector<1024x1xf32> to vector<1024x384xf32>
      %eq3A_597 = arith.cmpf oeq, %select_n3A_592, %eq3A_596 : vector<1024x384xf32>
      %jit3A_598 = arith.constant 1073741824 : i32
      %broadcast_in_dim3A_599 = vector.broadcast %jit3A_598 : i32 to vector<1024x384xi32>
      %select_n3A_600 = arith.select %eq3A_597, %add3A_548, %broadcast_in_dim3A_599 : vector<1024x384xi1>, vector<1024x384xi32>
      %reduce_min3A_601 = arith.constant dense<2147483647> : vector<1024xi32>
      %reduce_min3A_602 = vector.multi_reduction <minsi>, %select_n3A_600, %reduce_min3A_601 [1] : vector<1024x384xi32> to vector<1024xi32>
      %broadcast_in_dim3A_603 = vector.shape_cast %reduce_min3A_602 : vector<1024xi32> to vector<1024x1xi32>
      %swap3A_604 = arith.constant 0 : index
      %swap3A_605 = arith.constant 2 : index
      %swap3A_606 = vector.load %arg3[%swap3A_604, %swap3A_605] : memref<1024x3xf32, #tpu.memory_space<vmem>>, vector<1024x1xf32>
      tpu.vector_store %arg3[%swap3A_604, %swap3A_605], %broadcast_in_dim3A_595 {strides = array<i32>} : memref<1024x3xf32, #tpu.memory_space<vmem>>, vector<1024x1xf32>,
      %swap3A_607 = arith.constant 0 : index
      %swap3A_608 = arith.constant 2 : index
      %swap3A_609 = vector.load %arg4[%swap3A_607, %swap3A_608] : memref<1024x3xi32, #tpu.memory_space<vmem>>, vector<1024x1xi32>
      tpu.vector_store %arg4[%swap3A_607, %swap3A_608], %broadcast_in_dim3A_603 {strides = array<i32>} : memref<1024x3xi32, #tpu.memory_space<vmem>>, vector<1024x1xi32>,
    } else {
    }
    return
  }
  func.func @transform_0(%arg0: i32) -> (i32, i32) {
    %c0_i32 = arith.constant 0 : i32
    %c0_i32_0 = arith.constant 0 : i32
    %c0_i32_1 = arith.constant 0 : i32
    return %c0_i32, %c0_i32_0 : i32, i32
  }
  func.func @transform_1(%arg0: i32) -> (i32, i32) {
    %c0_i32 = arith.constant 0 : i32
    %c0_i32_0 = arith.constant 0 : i32
    return %arg0, %c0_i32 : i32, i32
  }
  func.func @transform_2(%arg0: i32) -> (i32, i32) {
    %c0_i32 = arith.constant 0 : i32
    %c0_i32_0 = arith.constant 0 : i32
    %c0_i32_1 = arith.constant 0 : i32
    return %c0_i32, %c0_i32_0 : i32, i32
  }
  func.func @transform_3(%arg0: i32) -> (i32, i32) {
    %c0_i32 = arith.constant 0 : i32
    %c0_i32_0 = arith.constant 0 : i32
    %c0_i32_1 = arith.constant 0 : i32
    return %c0_i32, %c0_i32_0 : i32, i32
  }
}

module attributes {stable_mosaic.version = 14 : i64} {
  func.func @_mea_body(%arg0: memref<1024x64xf32, #tpu.memory_space<vmem>>, %arg1: memref<3072x128xf32, #tpu.memory_space<vmem>>, %arg2: memref<1024x3xf32, #tpu.memory_space<vmem>>, %arg3: memref<2x64x64xf32, #tpu.memory_space<vmem>>, %arg4: memref<2x64xf32, #tpu.memory_space<vmem>>, %arg5: memref<2x64x64xf32, #tpu.memory_space<vmem>>, %arg6: memref<2x64xf32, #tpu.memory_space<vmem>>, %arg7: memref<2x64x64xf32, #tpu.memory_space<vmem>>, %arg8: memref<2x64xf32, #tpu.memory_space<vmem>>, %arg9: memref<2x64x64xf32, #tpu.memory_space<vmem>>, %arg10: memref<2x64xf32, #tpu.memory_space<vmem>>, %arg11: memref<64x64xf32, #tpu.memory_space<vmem>>, %arg12: memref<64xf32, #tpu.memory_space<vmem>>, %arg13: memref<12x64xf32, #tpu.memory_space<vmem>>, %arg14: memref<12xf32, #tpu.memory_space<vmem>>, %arg15: memref<1024x12xf32, #tpu.memory_space<vmem>>) attributes {dimension_semantics = [], scalar_prefetch = 0 : i64, scratch_operands = 0 : i64, tpu.core_type = #tpu.core_type<tc>} {
    %get3A = arith.constant 0 : index
    %get3A_0 = arith.constant 0 : index
    %get3A_1 = vector.load %arg0[%get3A, %get3A_0] : memref<1024x64xf32, #tpu.memory_space<vmem>>, vector<1024x64xf32>
    %get3A_2 = arith.constant 0 : index
    %get3A_3 = arith.constant 0 : index
    %get3A_4 = vector.load %arg1[%get3A_2, %get3A_3] : memref<3072x128xf32, #tpu.memory_space<vmem>>, vector<3072x64xf32>
    %get3A_5 = arith.constant 0 : index
    %get3A_6 = arith.constant 64 : index
    %get3A_7 = vector.load %arg1[%get3A_5, %get3A_6] : memref<3072x128xf32, #tpu.memory_space<vmem>>, vector<3072x1xf32>
    %get3A_8 = arith.constant 0 : index
    %get3A_9 = arith.constant 0 : index
    %get3A_10 = vector.load %arg2[%get3A_8, %get3A_9] : memref<1024x3xf32, #tpu.memory_space<vmem>>, vector<1024x3xf32>
    %mul3A = arith.mulf %get3A_4, %get3A_4 : vector<3072x64xf32>
    %reduce_sum3A = arith.constant dense<0.000000e+00> : vector<3072xf32>
    %reduce_sum3A_11 = vector.multi_reduction <add>, %mul3A, %reduce_sum3A [1] : vector<3072x64xf32> to vector<3072xf32>
    %broadcast_in_dim3A = vector.shape_cast %reduce_sum3A_11 : vector<3072xf32> to vector<3072x1xf32>
    %sqrt3A = math.sqrt %broadcast_in_dim3A : vector<3072x1xf32>
    %div3A = vector.broadcast %sqrt3A : vector<3072x1xf32> to vector<3072x64xf32>
    %div3A_12 = arith.divf %get3A_4, %div3A : vector<3072x64xf32>
    %convert_element_type3A = arith.fptosi %get3A_7 : vector<3072x1xf32> to vector<3072x1xi32>
    %iota3A = tpu.iota {dimensions = array<i32: 1>} : vector<3072x64xi32>
    %slice3A = vector.extract_strided_slice %get3A_10 {offsets = [0, 0], sizes = [1024, 1], strides = [1, 1]} : vector<1024x3xf32> to vector<1024x1xf32>
    %slice3A_13 = vector.extract_strided_slice %get3A_10 {offsets = [0, 1], sizes = [1024, 1], strides = [1, 1]} : vector<1024x3xf32> to vector<1024x1xf32>
    %slice3A_14 = vector.extract_strided_slice %get3A_10 {offsets = [0, 2], sizes = [1024, 1], strides = [1, 1]} : vector<1024x3xf32> to vector<1024x1xf32>
    %concatenate3A = tpu.concatenate %slice3A, %slice3A_13, %slice3A_14 in 0 : vector<1024x1xf32>, vector<1024x1xf32>, vector<1024x1xf32> -> vector<3072x1xf32>
    %eq3A = vector.broadcast %convert_element_type3A : vector<3072x1xi32> to vector<3072x64xi32>
    %eq3A_15 = arith.cmpi eq, %iota3A, %eq3A : vector<3072x64xi32>
    %jit3A = arith.constant 0.000000e+00 : f32
    %broadcast_in_dim3A_16 = vector.shape_cast %concatenate3A : vector<3072x1xf32> to vector<3072x1xf32>
    %broadcast_in_dim3A_17 = vector.broadcast %broadcast_in_dim3A_16 : vector<3072x1xf32> to vector<3072x64xf32>
    %broadcast_in_dim3A_18 = vector.broadcast %jit3A : f32 to vector<3072x64xf32>
    %select_n3A = arith.select %eq3A_15, %broadcast_in_dim3A_17, %broadcast_in_dim3A_18 : vector<3072x64xi1>, vector<3072x64xf32>
    %concatenate3A_19 = tpu.concatenate %get3A_1, %get3A_1, %get3A_1 in 0 : vector<1024x64xf32>, vector<1024x64xf32>, vector<1024x64xf32> -> vector<3072x64xf32>
    %get3A_20 = arith.constant 0 : index
    %get3A_21 = arith.constant 0 : index
    %get3A_22 = arith.constant 0 : index
    %get3A_23 = vector.load %arg3[%get3A_20, %get3A_21, %get3A_22] : memref<2x64x64xf32, #tpu.memory_space<vmem>>, vector<1x64x64xf32>
    %get3A_24 = vector.shape_cast %get3A_23 : vector<1x64x64xf32> to vector<64x64xf32>
    %get3A_25 = arith.constant 0 : index
    %get3A_26 = arith.constant 0 : index
    %get3A_27 = vector.load %arg4[%get3A_25, %get3A_26] : memref<2x64xf32, #tpu.memory_space<vmem>>, vector<1x64xf32>
    %get3A_28 = vector.shape_cast %get3A_27 : vector<1x64xf32> to vector<64xf32>
    %dot_general3A = arith.constant dense<0.000000e+00> : vector<3072x64xf32>
    %dot_general3A_29 = tpu.matmul %select_n3A, %get3A_24, %dot_general3A {dimension_numbers = #tpu.dot_dimension_numbers<[1], [1], [0], [0], [0, 0, 1, 0], [], []>, transpose_lhs_hint = false} : vector<3072x64xf32>, vector<64x64xf32>, vector<3072x64xf32> -> vector<3072x64xf32>
    %reshape3A = vector.shape_cast %get3A_28 : vector<64xf32> to vector<1x64xf32>
    %add3A = vector.broadcast %reshape3A : vector<1x64xf32> to vector<3072x64xf32>
    %add3A_30 = arith.addf %dot_general3A_29, %add3A : vector<3072x64xf32>
    %get3A_31 = arith.constant 0 : index
    %get3A_32 = arith.constant 0 : index
    %get3A_33 = arith.constant 0 : index
    %get3A_34 = vector.load %arg3[%get3A_31, %get3A_32, %get3A_33] : memref<2x64x64xf32, #tpu.memory_space<vmem>>, vector<1x64x64xf32>
    %get3A_35 = vector.shape_cast %get3A_34 : vector<1x64x64xf32> to vector<64x64xf32>
    %get3A_36 = arith.constant 0 : index
    %get3A_37 = arith.constant 0 : index
    %get3A_38 = vector.load %arg4[%get3A_36, %get3A_37] : memref<2x64xf32, #tpu.memory_space<vmem>>, vector<1x64xf32>
    %get3A_39 = vector.shape_cast %get3A_38 : vector<1x64xf32> to vector<64xf32>
    %dot_general3A_40 = arith.constant dense<0.000000e+00> : vector<3072x64xf32>
    %dot_general3A_41 = tpu.matmul %concatenate3A_19, %get3A_35, %dot_general3A_40 {dimension_numbers = #tpu.dot_dimension_numbers<[1], [1], [0], [0], [0, 0, 1, 0], [], []>, transpose_lhs_hint = false} : vector<3072x64xf32>, vector<64x64xf32>, vector<3072x64xf32> -> vector<3072x64xf32>
    %reshape3A_42 = vector.shape_cast %get3A_39 : vector<64xf32> to vector<1x64xf32>
    %add3A_43 = vector.broadcast %reshape3A_42 : vector<1x64xf32> to vector<3072x64xf32>
    %add3A_44 = arith.addf %dot_general3A_41, %add3A_43 : vector<3072x64xf32>
    %get3A_45 = arith.constant 0 : index
    %get3A_46 = arith.constant 0 : index
    %get3A_47 = arith.constant 0 : index
    %get3A_48 = vector.load %arg3[%get3A_45, %get3A_46, %get3A_47] : memref<2x64x64xf32, #tpu.memory_space<vmem>>, vector<1x64x64xf32>
    %get3A_49 = vector.shape_cast %get3A_48 : vector<1x64x64xf32> to vector<64x64xf32>
    %get3A_50 = arith.constant 0 : index
    %get3A_51 = arith.constant 0 : index
    %get3A_52 = vector.load %arg4[%get3A_50, %get3A_51] : memref<2x64xf32, #tpu.memory_space<vmem>>, vector<1x64xf32>
    %get3A_53 = vector.shape_cast %get3A_52 : vector<1x64xf32> to vector<64xf32>
    %dot_general3A_54 = arith.constant dense<0.000000e+00> : vector<3072x64xf32>
    %dot_general3A_55 = tpu.matmul %div3A_12, %get3A_49, %dot_general3A_54 {dimension_numbers = #tpu.dot_dimension_numbers<[1], [1], [0], [0], [0, 0, 1, 0], [], []>, transpose_lhs_hint = false} : vector<3072x64xf32>, vector<64x64xf32>, vector<3072x64xf32> -> vector<3072x64xf32>
    %reshape3A_56 = vector.shape_cast %get3A_53 : vector<64xf32> to vector<1x64xf32>
    %add3A_57 = vector.broadcast %reshape3A_56 : vector<1x64xf32> to vector<3072x64xf32>
    %add3A_58 = arith.addf %dot_general3A_55, %add3A_57 : vector<3072x64xf32>
    %get3A_59 = arith.constant 0 : index
    %get3A_60 = arith.constant 0 : index
    %get3A_61 = arith.constant 0 : index
    %get3A_62 = vector.load %arg5[%get3A_59, %get3A_60, %get3A_61] : memref<2x64x64xf32, #tpu.memory_space<vmem>>, vector<1x64x64xf32>
    %get3A_63 = vector.shape_cast %get3A_62 : vector<1x64x64xf32> to vector<64x64xf32>
    %get3A_64 = arith.constant 0 : index
    %get3A_65 = arith.constant 0 : index
    %get3A_66 = vector.load %arg6[%get3A_64, %get3A_65] : memref<2x64xf32, #tpu.memory_space<vmem>>, vector<1x64xf32>
    %get3A_67 = vector.shape_cast %get3A_66 : vector<1x64xf32> to vector<64xf32>
    %dot_general3A_68 = arith.constant dense<0.000000e+00> : vector<3072x64xf32>
    %dot_general3A_69 = tpu.matmul %select_n3A, %get3A_63, %dot_general3A_68 {dimension_numbers = #tpu.dot_dimension_numbers<[1], [1], [0], [0], [0, 0, 1, 0], [], []>, transpose_lhs_hint = false} : vector<3072x64xf32>, vector<64x64xf32>, vector<3072x64xf32> -> vector<3072x64xf32>
    %reshape3A_70 = vector.shape_cast %get3A_67 : vector<64xf32> to vector<1x64xf32>
    %add3A_71 = vector.broadcast %reshape3A_70 : vector<1x64xf32> to vector<3072x64xf32>
    %add3A_72 = arith.addf %dot_general3A_69, %add3A_71 : vector<3072x64xf32>
    %get3A_73 = arith.constant 0 : index
    %get3A_74 = arith.constant 0 : index
    %get3A_75 = arith.constant 0 : index
    %get3A_76 = vector.load %arg5[%get3A_73, %get3A_74, %get3A_75] : memref<2x64x64xf32, #tpu.memory_space<vmem>>, vector<1x64x64xf32>
    %get3A_77 = vector.shape_cast %get3A_76 : vector<1x64x64xf32> to vector<64x64xf32>
    %get3A_78 = arith.constant 0 : index
    %get3A_79 = arith.constant 0 : index
    %get3A_80 = vector.load %arg6[%get3A_78, %get3A_79] : memref<2x64xf32, #tpu.memory_space<vmem>>, vector<1x64xf32>
    %get3A_81 = vector.shape_cast %get3A_80 : vector<1x64xf32> to vector<64xf32>
    %dot_general3A_82 = arith.constant dense<0.000000e+00> : vector<3072x64xf32>
    %dot_general3A_83 = tpu.matmul %concatenate3A_19, %get3A_77, %dot_general3A_82 {dimension_numbers = #tpu.dot_dimension_numbers<[1], [1], [0], [0], [0, 0, 1, 0], [], []>, transpose_lhs_hint = false} : vector<3072x64xf32>, vector<64x64xf32>, vector<3072x64xf32> -> vector<3072x64xf32>
    %reshape3A_84 = vector.shape_cast %get3A_81 : vector<64xf32> to vector<1x64xf32>
    %add3A_85 = vector.broadcast %reshape3A_84 : vector<1x64xf32> to vector<3072x64xf32>
    %add3A_86 = arith.addf %dot_general3A_83, %add3A_85 : vector<3072x64xf32>
    %get3A_87 = arith.constant 0 : index
    %get3A_88 = arith.constant 0 : index
    %get3A_89 = arith.constant 0 : index
    %get3A_90 = vector.load %arg5[%get3A_87, %get3A_88, %get3A_89] : memref<2x64x64xf32, #tpu.memory_space<vmem>>, vector<1x64x64xf32>
    %get3A_91 = vector.shape_cast %get3A_90 : vector<1x64x64xf32> to vector<64x64xf32>
    %get3A_92 = arith.constant 0 : index
    %get3A_93 = arith.constant 0 : index
    %get3A_94 = vector.load %arg6[%get3A_92, %get3A_93] : memref<2x64xf32, #tpu.memory_space<vmem>>, vector<1x64xf32>
    %get3A_95 = vector.shape_cast %get3A_94 : vector<1x64xf32> to vector<64xf32>
    %dot_general3A_96 = arith.constant dense<0.000000e+00> : vector<3072x64xf32>
    %dot_general3A_97 = tpu.matmul %div3A_12, %get3A_91, %dot_general3A_96 {dimension_numbers = #tpu.dot_dimension_numbers<[1], [1], [0], [0], [0, 0, 1, 0], [], []>, transpose_lhs_hint = false} : vector<3072x64xf32>, vector<64x64xf32>, vector<3072x64xf32> -> vector<3072x64xf32>
    %reshape3A_98 = vector.shape_cast %get3A_95 : vector<64xf32> to vector<1x64xf32>
    %add3A_99 = vector.broadcast %reshape3A_98 : vector<1x64xf32> to vector<3072x64xf32>
    %add3A_100 = arith.addf %dot_general3A_97, %add3A_99 : vector<3072x64xf32>
    %get3A_101 = arith.constant 0 : index
    %get3A_102 = arith.constant 0 : index
    %get3A_103 = arith.constant 0 : index
    %get3A_104 = vector.load %arg7[%get3A_101, %get3A_102, %get3A_103] : memref<2x64x64xf32, #tpu.memory_space<vmem>>, vector<1x64x64xf32>
    %get3A_105 = vector.shape_cast %get3A_104 : vector<1x64x64xf32> to vector<64x64xf32>
    %get3A_106 = arith.constant 0 : index
    %get3A_107 = arith.constant 0 : index
    %get3A_108 = vector.load %arg8[%get3A_106, %get3A_107] : memref<2x64xf32, #tpu.memory_space<vmem>>, vector<1x64xf32>
    %get3A_109 = vector.shape_cast %get3A_108 : vector<1x64xf32> to vector<64xf32>
    %dot_general3A_110 = arith.constant dense<0.000000e+00> : vector<3072x64xf32>
    %dot_general3A_111 = tpu.matmul %select_n3A, %get3A_105, %dot_general3A_110 {dimension_numbers = #tpu.dot_dimension_numbers<[1], [1], [0], [0], [0, 0, 1, 0], [], []>, transpose_lhs_hint = false} : vector<3072x64xf32>, vector<64x64xf32>, vector<3072x64xf32> -> vector<3072x64xf32>
    %reshape3A_112 = vector.shape_cast %get3A_109 : vector<64xf32> to vector<1x64xf32>
    %add3A_113 = vector.broadcast %reshape3A_112 : vector<1x64xf32> to vector<3072x64xf32>
    %add3A_114 = arith.addf %dot_general3A_111, %add3A_113 : vector<3072x64xf32>
    %get3A_115 = arith.constant 0 : index
    %get3A_116 = arith.constant 0 : index
    %get3A_117 = arith.constant 0 : index
    %get3A_118 = vector.load %arg7[%get3A_115, %get3A_116, %get3A_117] : memref<2x64x64xf32, #tpu.memory_space<vmem>>, vector<1x64x64xf32>
    %get3A_119 = vector.shape_cast %get3A_118 : vector<1x64x64xf32> to vector<64x64xf32>
    %get3A_120 = arith.constant 0 : index
    %get3A_121 = arith.constant 0 : index
    %get3A_122 = vector.load %arg8[%get3A_120, %get3A_121] : memref<2x64xf32, #tpu.memory_space<vmem>>, vector<1x64xf32>
    %get3A_123 = vector.shape_cast %get3A_122 : vector<1x64xf32> to vector<64xf32>
    %dot_general3A_124 = arith.constant dense<0.000000e+00> : vector<3072x64xf32>
    %dot_general3A_125 = tpu.matmul %concatenate3A_19, %get3A_119, %dot_general3A_124 {dimension_numbers = #tpu.dot_dimension_numbers<[1], [1], [0], [0], [0, 0, 1, 0], [], []>, transpose_lhs_hint = false} : vector<3072x64xf32>, vector<64x64xf32>, vector<3072x64xf32> -> vector<3072x64xf32>
    %reshape3A_126 = vector.shape_cast %get3A_123 : vector<64xf32> to vector<1x64xf32>
    %add3A_127 = vector.broadcast %reshape3A_126 : vector<1x64xf32> to vector<3072x64xf32>
    %add3A_128 = arith.addf %dot_general3A_125, %add3A_127 : vector<3072x64xf32>
    %get3A_129 = arith.constant 0 : index
    %get3A_130 = arith.constant 0 : index
    %get3A_131 = arith.constant 0 : index
    %get3A_132 = vector.load %arg7[%get3A_129, %get3A_130, %get3A_131] : memref<2x64x64xf32, #tpu.memory_space<vmem>>, vector<1x64x64xf32>
    %get3A_133 = vector.shape_cast %get3A_132 : vector<1x64x64xf32> to vector<64x64xf32>
    %get3A_134 = arith.constant 0 : index
    %get3A_135 = arith.constant 0 : index
    %get3A_136 = vector.load %arg8[%get3A_134, %get3A_135] : memref<2x64xf32, #tpu.memory_space<vmem>>, vector<1x64xf32>
    %get3A_137 = vector.shape_cast %get3A_136 : vector<1x64xf32> to vector<64xf32>
    %dot_general3A_138 = arith.constant dense<0.000000e+00> : vector<3072x64xf32>
    %dot_general3A_139 = tpu.matmul %div3A_12, %get3A_133, %dot_general3A_138 {dimension_numbers = #tpu.dot_dimension_numbers<[1], [1], [0], [0], [0, 0, 1, 0], [], []>, transpose_lhs_hint = false} : vector<3072x64xf32>, vector<64x64xf32>, vector<3072x64xf32> -> vector<3072x64xf32>
    %reshape3A_140 = vector.shape_cast %get3A_137 : vector<64xf32> to vector<1x64xf32>
    %add3A_141 = vector.broadcast %reshape3A_140 : vector<1x64xf32> to vector<3072x64xf32>
    %add3A_142 = arith.addf %dot_general3A_139, %add3A_141 : vector<3072x64xf32>
    %mul3A_143 = arith.mulf %add3A_30, %add3A_72 : vector<3072x64xf32>
    %reduce_sum3A_144 = arith.constant dense<0.000000e+00> : vector<3072xf32>
    %reduce_sum3A_145 = vector.multi_reduction <add>, %mul3A_143, %reduce_sum3A_144 [1] : vector<3072x64xf32> to vector<3072xf32>
    %broadcast_in_dim3A_146 = vector.shape_cast %reduce_sum3A_145 : vector<3072xf32> to vector<3072x1xf32>
    %div3A_147 = arith.constant 4.000000e+00 : f32
    %div3A_148 = vector.broadcast %div3A_147 : f32 to vector<3072x1xf32>
    %div3A_149 = arith.divf %broadcast_in_dim3A_146, %div3A_148 : vector<3072x1xf32>
    %mul3A_150 = arith.mulf %add3A_30, %add3A_86 : vector<3072x64xf32>
    %reduce_sum3A_151 = arith.constant dense<0.000000e+00> : vector<3072xf32>
    %reduce_sum3A_152 = vector.multi_reduction <add>, %mul3A_150, %reduce_sum3A_151 [1] : vector<3072x64xf32> to vector<3072xf32>
    %broadcast_in_dim3A_153 = vector.shape_cast %reduce_sum3A_152 : vector<3072xf32> to vector<3072x1xf32>
    %div3A_154 = arith.constant 4.000000e+00 : f32
    %div3A_155 = vector.broadcast %div3A_154 : f32 to vector<3072x1xf32>
    %div3A_156 = arith.divf %broadcast_in_dim3A_153, %div3A_155 : vector<3072x1xf32>
    %mul3A_157 = arith.mulf %add3A_30, %add3A_100 : vector<3072x64xf32>
    %reduce_sum3A_158 = arith.constant dense<0.000000e+00> : vector<3072xf32>
    %reduce_sum3A_159 = vector.multi_reduction <add>, %mul3A_157, %reduce_sum3A_158 [1] : vector<3072x64xf32> to vector<3072xf32>
    %broadcast_in_dim3A_160 = vector.shape_cast %reduce_sum3A_159 : vector<3072xf32> to vector<3072x1xf32>
    %div3A_161 = arith.constant 4.000000e+00 : f32
    %div3A_162 = vector.broadcast %div3A_161 : f32 to vector<3072x1xf32>
    %div3A_163 = arith.divf %broadcast_in_dim3A_160, %div3A_162 : vector<3072x1xf32>
    %max3A = arith.maximumf %div3A_149, %div3A_156 : vector<3072x1xf32>
    %max3A_164 = arith.maximumf %max3A, %div3A_163 : vector<3072x1xf32>
    %sub3A = arith.subf %div3A_149, %max3A_164 : vector<3072x1xf32>
    %exp3A = math.exp %sub3A : vector<3072x1xf32>
    %sub3A_165 = arith.subf %div3A_156, %max3A_164 : vector<3072x1xf32>
    %exp3A_166 = math.exp %sub3A_165 : vector<3072x1xf32>
    %sub3A_167 = arith.subf %div3A_163, %max3A_164 : vector<3072x1xf32>
    %exp3A_168 = math.exp %sub3A_167 : vector<3072x1xf32>
    %add3A_169 = arith.addf %exp3A, %exp3A_166 : vector<3072x1xf32>
    %add3A_170 = arith.addf %add3A_169, %exp3A_168 : vector<3072x1xf32>
    %mul3A_171 = vector.broadcast %exp3A : vector<3072x1xf32> to vector<3072x64xf32>
    %mul3A_172 = arith.mulf %mul3A_171, %add3A_114 : vector<3072x64xf32>
    %mul3A_173 = vector.broadcast %exp3A_166 : vector<3072x1xf32> to vector<3072x64xf32>
    %mul3A_174 = arith.mulf %mul3A_173, %add3A_128 : vector<3072x64xf32>
    %add3A_175 = arith.addf %mul3A_172, %mul3A_174 : vector<3072x64xf32>
    %mul3A_176 = vector.broadcast %exp3A_168 : vector<3072x1xf32> to vector<3072x64xf32>
    %mul3A_177 = arith.mulf %mul3A_176, %add3A_142 : vector<3072x64xf32>
    %add3A_178 = arith.addf %add3A_175, %mul3A_177 : vector<3072x64xf32>
    %div3A_179 = vector.broadcast %add3A_170 : vector<3072x1xf32> to vector<3072x64xf32>
    %div3A_180 = arith.divf %add3A_178, %div3A_179 : vector<3072x64xf32>
    %get3A_181 = arith.constant 0 : index
    %get3A_182 = arith.constant 0 : index
    %get3A_183 = arith.constant 0 : index
    %get3A_184 = vector.load %arg9[%get3A_181, %get3A_182, %get3A_183] : memref<2x64x64xf32, #tpu.memory_space<vmem>>, vector<1x64x64xf32>
    %get3A_185 = vector.shape_cast %get3A_184 : vector<1x64x64xf32> to vector<64x64xf32>
    %get3A_186 = arith.constant 0 : index
    %get3A_187 = arith.constant 0 : index
    %get3A_188 = vector.load %arg10[%get3A_186, %get3A_187] : memref<2x64xf32, #tpu.memory_space<vmem>>, vector<1x64xf32>
    %get3A_189 = vector.shape_cast %get3A_188 : vector<1x64xf32> to vector<64xf32>
    %dot_general3A_190 = arith.constant dense<0.000000e+00> : vector<3072x64xf32>
    %dot_general3A_191 = tpu.matmul %div3A_180, %get3A_185, %dot_general3A_190 {dimension_numbers = #tpu.dot_dimension_numbers<[1], [1], [0], [0], [0, 0, 1, 0], [], []>, transpose_lhs_hint = false} : vector<3072x64xf32>, vector<64x64xf32>, vector<3072x64xf32> -> vector<3072x64xf32>
    %reshape3A_192 = vector.shape_cast %get3A_189 : vector<64xf32> to vector<1x64xf32>
    %add3A_193 = vector.broadcast %reshape3A_192 : vector<1x64xf32> to vector<3072x64xf32>
    %add3A_194 = arith.addf %dot_general3A_191, %add3A_193 : vector<3072x64xf32>
    %mul3A_195 = arith.mulf %add3A_44, %add3A_72 : vector<3072x64xf32>
    %reduce_sum3A_196 = arith.constant dense<0.000000e+00> : vector<3072xf32>
    %reduce_sum3A_197 = vector.multi_reduction <add>, %mul3A_195, %reduce_sum3A_196 [1] : vector<3072x64xf32> to vector<3072xf32>
    %broadcast_in_dim3A_198 = vector.shape_cast %reduce_sum3A_197 : vector<3072xf32> to vector<3072x1xf32>
    %div3A_199 = arith.constant 4.000000e+00 : f32
    %div3A_200 = vector.broadcast %div3A_199 : f32 to vector<3072x1xf32>
    %div3A_201 = arith.divf %broadcast_in_dim3A_198, %div3A_200 : vector<3072x1xf32>
    %mul3A_202 = arith.mulf %add3A_44, %add3A_86 : vector<3072x64xf32>
    %reduce_sum3A_203 = arith.constant dense<0.000000e+00> : vector<3072xf32>
    %reduce_sum3A_204 = vector.multi_reduction <add>, %mul3A_202, %reduce_sum3A_203 [1] : vector<3072x64xf32> to vector<3072xf32>
    %broadcast_in_dim3A_205 = vector.shape_cast %reduce_sum3A_204 : vector<3072xf32> to vector<3072x1xf32>
    %div3A_206 = arith.constant 4.000000e+00 : f32
    %div3A_207 = vector.broadcast %div3A_206 : f32 to vector<3072x1xf32>
    %div3A_208 = arith.divf %broadcast_in_dim3A_205, %div3A_207 : vector<3072x1xf32>
    %mul3A_209 = arith.mulf %add3A_44, %add3A_100 : vector<3072x64xf32>
    %reduce_sum3A_210 = arith.constant dense<0.000000e+00> : vector<3072xf32>
    %reduce_sum3A_211 = vector.multi_reduction <add>, %mul3A_209, %reduce_sum3A_210 [1] : vector<3072x64xf32> to vector<3072xf32>
    %broadcast_in_dim3A_212 = vector.shape_cast %reduce_sum3A_211 : vector<3072xf32> to vector<3072x1xf32>
    %div3A_213 = arith.constant 4.000000e+00 : f32
    %div3A_214 = vector.broadcast %div3A_213 : f32 to vector<3072x1xf32>
    %div3A_215 = arith.divf %broadcast_in_dim3A_212, %div3A_214 : vector<3072x1xf32>
    %max3A_216 = arith.maximumf %div3A_201, %div3A_208 : vector<3072x1xf32>
    %max3A_217 = arith.maximumf %max3A_216, %div3A_215 : vector<3072x1xf32>
    %sub3A_218 = arith.subf %div3A_201, %max3A_217 : vector<3072x1xf32>
    %exp3A_219 = math.exp %sub3A_218 : vector<3072x1xf32>
    %sub3A_220 = arith.subf %div3A_208, %max3A_217 : vector<3072x1xf32>
    %exp3A_221 = math.exp %sub3A_220 : vector<3072x1xf32>
    %sub3A_222 = arith.subf %div3A_215, %max3A_217 : vector<3072x1xf32>
    %exp3A_223 = math.exp %sub3A_222 : vector<3072x1xf32>
    %add3A_224 = arith.addf %exp3A_219, %exp3A_221 : vector<3072x1xf32>
    %add3A_225 = arith.addf %add3A_224, %exp3A_223 : vector<3072x1xf32>
    %mul3A_226 = vector.broadcast %exp3A_219 : vector<3072x1xf32> to vector<3072x64xf32>
    %mul3A_227 = arith.mulf %mul3A_226, %add3A_114 : vector<3072x64xf32>
    %mul3A_228 = vector.broadcast %exp3A_221 : vector<3072x1xf32> to vector<3072x64xf32>
    %mul3A_229 = arith.mulf %mul3A_228, %add3A_128 : vector<3072x64xf32>
    %add3A_230 = arith.addf %mul3A_227, %mul3A_229 : vector<3072x64xf32>
    %mul3A_231 = vector.broadcast %exp3A_223 : vector<3072x1xf32> to vector<3072x64xf32>
    %mul3A_232 = arith.mulf %mul3A_231, %add3A_142 : vector<3072x64xf32>
    %add3A_233 = arith.addf %add3A_230, %mul3A_232 : vector<3072x64xf32>
    %div3A_234 = vector.broadcast %add3A_225 : vector<3072x1xf32> to vector<3072x64xf32>
    %div3A_235 = arith.divf %add3A_233, %div3A_234 : vector<3072x64xf32>
    %get3A_236 = arith.constant 0 : index
    %get3A_237 = arith.constant 0 : index
    %get3A_238 = arith.constant 0 : index
    %get3A_239 = vector.load %arg9[%get3A_236, %get3A_237, %get3A_238] : memref<2x64x64xf32, #tpu.memory_space<vmem>>, vector<1x64x64xf32>
    %get3A_240 = vector.shape_cast %get3A_239 : vector<1x64x64xf32> to vector<64x64xf32>
    %get3A_241 = arith.constant 0 : index
    %get3A_242 = arith.constant 0 : index
    %get3A_243 = vector.load %arg10[%get3A_241, %get3A_242] : memref<2x64xf32, #tpu.memory_space<vmem>>, vector<1x64xf32>
    %get3A_244 = vector.shape_cast %get3A_243 : vector<1x64xf32> to vector<64xf32>
    %dot_general3A_245 = arith.constant dense<0.000000e+00> : vector<3072x64xf32>
    %dot_general3A_246 = tpu.matmul %div3A_235, %get3A_240, %dot_general3A_245 {dimension_numbers = #tpu.dot_dimension_numbers<[1], [1], [0], [0], [0, 0, 1, 0], [], []>, transpose_lhs_hint = false} : vector<3072x64xf32>, vector<64x64xf32>, vector<3072x64xf32> -> vector<3072x64xf32>
    %reshape3A_247 = vector.shape_cast %get3A_244 : vector<64xf32> to vector<1x64xf32>
    %add3A_248 = vector.broadcast %reshape3A_247 : vector<1x64xf32> to vector<3072x64xf32>
    %add3A_249 = arith.addf %dot_general3A_246, %add3A_248 : vector<3072x64xf32>
    %mul3A_250 = arith.mulf %add3A_58, %add3A_72 : vector<3072x64xf32>
    %reduce_sum3A_251 = arith.constant dense<0.000000e+00> : vector<3072xf32>
    %reduce_sum3A_252 = vector.multi_reduction <add>, %mul3A_250, %reduce_sum3A_251 [1] : vector<3072x64xf32> to vector<3072xf32>
    %broadcast_in_dim3A_253 = vector.shape_cast %reduce_sum3A_252 : vector<3072xf32> to vector<3072x1xf32>
    %div3A_254 = arith.constant 4.000000e+00 : f32
    %div3A_255 = vector.broadcast %div3A_254 : f32 to vector<3072x1xf32>
    %div3A_256 = arith.divf %broadcast_in_dim3A_253, %div3A_255 : vector<3072x1xf32>
    %mul3A_257 = arith.mulf %add3A_58, %add3A_86 : vector<3072x64xf32>
    %reduce_sum3A_258 = arith.constant dense<0.000000e+00> : vector<3072xf32>
    %reduce_sum3A_259 = vector.multi_reduction <add>, %mul3A_257, %reduce_sum3A_258 [1] : vector<3072x64xf32> to vector<3072xf32>
    %broadcast_in_dim3A_260 = vector.shape_cast %reduce_sum3A_259 : vector<3072xf32> to vector<3072x1xf32>
    %div3A_261 = arith.constant 4.000000e+00 : f32
    %div3A_262 = vector.broadcast %div3A_261 : f32 to vector<3072x1xf32>
    %div3A_263 = arith.divf %broadcast_in_dim3A_260, %div3A_262 : vector<3072x1xf32>
    %mul3A_264 = arith.mulf %add3A_58, %add3A_100 : vector<3072x64xf32>
    %reduce_sum3A_265 = arith.constant dense<0.000000e+00> : vector<3072xf32>
    %reduce_sum3A_266 = vector.multi_reduction <add>, %mul3A_264, %reduce_sum3A_265 [1] : vector<3072x64xf32> to vector<3072xf32>
    %broadcast_in_dim3A_267 = vector.shape_cast %reduce_sum3A_266 : vector<3072xf32> to vector<3072x1xf32>
    %div3A_268 = arith.constant 4.000000e+00 : f32
    %div3A_269 = vector.broadcast %div3A_268 : f32 to vector<3072x1xf32>
    %div3A_270 = arith.divf %broadcast_in_dim3A_267, %div3A_269 : vector<3072x1xf32>
    %max3A_271 = arith.maximumf %div3A_256, %div3A_263 : vector<3072x1xf32>
    %max3A_272 = arith.maximumf %max3A_271, %div3A_270 : vector<3072x1xf32>
    %sub3A_273 = arith.subf %div3A_256, %max3A_272 : vector<3072x1xf32>
    %exp3A_274 = math.exp %sub3A_273 : vector<3072x1xf32>
    %sub3A_275 = arith.subf %div3A_263, %max3A_272 : vector<3072x1xf32>
    %exp3A_276 = math.exp %sub3A_275 : vector<3072x1xf32>
    %sub3A_277 = arith.subf %div3A_270, %max3A_272 : vector<3072x1xf32>
    %exp3A_278 = math.exp %sub3A_277 : vector<3072x1xf32>
    %add3A_279 = arith.addf %exp3A_274, %exp3A_276 : vector<3072x1xf32>
    %add3A_280 = arith.addf %add3A_279, %exp3A_278 : vector<3072x1xf32>
    %mul3A_281 = vector.broadcast %exp3A_274 : vector<3072x1xf32> to vector<3072x64xf32>
    %mul3A_282 = arith.mulf %mul3A_281, %add3A_114 : vector<3072x64xf32>
    %mul3A_283 = vector.broadcast %exp3A_276 : vector<3072x1xf32> to vector<3072x64xf32>
    %mul3A_284 = arith.mulf %mul3A_283, %add3A_128 : vector<3072x64xf32>
    %add3A_285 = arith.addf %mul3A_282, %mul3A_284 : vector<3072x64xf32>
    %mul3A_286 = vector.broadcast %exp3A_278 : vector<3072x1xf32> to vector<3072x64xf32>
    %mul3A_287 = arith.mulf %mul3A_286, %add3A_142 : vector<3072x64xf32>
    %add3A_288 = arith.addf %add3A_285, %mul3A_287 : vector<3072x64xf32>
    %div3A_289 = vector.broadcast %add3A_280 : vector<3072x1xf32> to vector<3072x64xf32>
    %div3A_290 = arith.divf %add3A_288, %div3A_289 : vector<3072x64xf32>
    %get3A_291 = arith.constant 0 : index
    %get3A_292 = arith.constant 0 : index
    %get3A_293 = arith.constant 0 : index
    %get3A_294 = vector.load %arg9[%get3A_291, %get3A_292, %get3A_293] : memref<2x64x64xf32, #tpu.memory_space<vmem>>, vector<1x64x64xf32>
    %get3A_295 = vector.shape_cast %get3A_294 : vector<1x64x64xf32> to vector<64x64xf32>
    %get3A_296 = arith.constant 0 : index
    %get3A_297 = arith.constant 0 : index
    %get3A_298 = vector.load %arg10[%get3A_296, %get3A_297] : memref<2x64xf32, #tpu.memory_space<vmem>>, vector<1x64xf32>
    %get3A_299 = vector.shape_cast %get3A_298 : vector<1x64xf32> to vector<64xf32>
    %dot_general3A_300 = arith.constant dense<0.000000e+00> : vector<3072x64xf32>
    %dot_general3A_301 = tpu.matmul %div3A_290, %get3A_295, %dot_general3A_300 {dimension_numbers = #tpu.dot_dimension_numbers<[1], [1], [0], [0], [0, 0, 1, 0], [], []>, transpose_lhs_hint = false} : vector<3072x64xf32>, vector<64x64xf32>, vector<3072x64xf32> -> vector<3072x64xf32>
    %reshape3A_302 = vector.shape_cast %get3A_299 : vector<64xf32> to vector<1x64xf32>
    %add3A_303 = vector.broadcast %reshape3A_302 : vector<1x64xf32> to vector<3072x64xf32>
    %add3A_304 = arith.addf %dot_general3A_301, %add3A_303 : vector<3072x64xf32>
    %get3A_305 = arith.constant 1 : index
    %get3A_306 = arith.constant 0 : index
    %get3A_307 = arith.constant 0 : index
    %get3A_308 = vector.load %arg3[%get3A_305, %get3A_306, %get3A_307] : memref<2x64x64xf32, #tpu.memory_space<vmem>>, vector<1x64x64xf32>
    %get3A_309 = vector.shape_cast %get3A_308 : vector<1x64x64xf32> to vector<64x64xf32>
    %get3A_310 = arith.constant 1 : index
    %get3A_311 = arith.constant 0 : index
    %get3A_312 = vector.load %arg4[%get3A_310, %get3A_311] : memref<2x64xf32, #tpu.memory_space<vmem>>, vector<1x64xf32>
    %get3A_313 = vector.shape_cast %get3A_312 : vector<1x64xf32> to vector<64xf32>
    %dot_general3A_314 = arith.constant dense<0.000000e+00> : vector<3072x64xf32>
    %dot_general3A_315 = tpu.matmul %add3A_194, %get3A_309, %dot_general3A_314 {dimension_numbers = #tpu.dot_dimension_numbers<[1], [1], [0], [0], [0, 0, 1, 0], [], []>, transpose_lhs_hint = false} : vector<3072x64xf32>, vector<64x64xf32>, vector<3072x64xf32> -> vector<3072x64xf32>
    %reshape3A_316 = vector.shape_cast %get3A_313 : vector<64xf32> to vector<1x64xf32>
    %add3A_317 = vector.broadcast %reshape3A_316 : vector<1x64xf32> to vector<3072x64xf32>
    %add3A_318 = arith.addf %dot_general3A_315, %add3A_317 : vector<3072x64xf32>
    %get3A_319 = arith.constant 1 : index
    %get3A_320 = arith.constant 0 : index
    %get3A_321 = arith.constant 0 : index
    %get3A_322 = vector.load %arg5[%get3A_319, %get3A_320, %get3A_321] : memref<2x64x64xf32, #tpu.memory_space<vmem>>, vector<1x64x64xf32>
    %get3A_323 = vector.shape_cast %get3A_322 : vector<1x64x64xf32> to vector<64x64xf32>
    %get3A_324 = arith.constant 1 : index
    %get3A_325 = arith.constant 0 : index
    %get3A_326 = vector.load %arg6[%get3A_324, %get3A_325] : memref<2x64xf32, #tpu.memory_space<vmem>>, vector<1x64xf32>
    %get3A_327 = vector.shape_cast %get3A_326 : vector<1x64xf32> to vector<64xf32>
    %dot_general3A_328 = arith.constant dense<0.000000e+00> : vector<3072x64xf32>
    %dot_general3A_329 = tpu.matmul %add3A_194, %get3A_323, %dot_general3A_328 {dimension_numbers = #tpu.dot_dimension_numbers<[1], [1], [0], [0], [0, 0, 1, 0], [], []>, transpose_lhs_hint = false} : vector<3072x64xf32>, vector<64x64xf32>, vector<3072x64xf32> -> vector<3072x64xf32>
    %reshape3A_330 = vector.shape_cast %get3A_327 : vector<64xf32> to vector<1x64xf32>
    %add3A_331 = vector.broadcast %reshape3A_330 : vector<1x64xf32> to vector<3072x64xf32>
    %add3A_332 = arith.addf %dot_general3A_329, %add3A_331 : vector<3072x64xf32>
    %get3A_333 = arith.constant 1 : index
    %get3A_334 = arith.constant 0 : index
    %get3A_335 = arith.constant 0 : index
    %get3A_336 = vector.load %arg5[%get3A_333, %get3A_334, %get3A_335] : memref<2x64x64xf32, #tpu.memory_space<vmem>>, vector<1x64x64xf32>
    %get3A_337 = vector.shape_cast %get3A_336 : vector<1x64x64xf32> to vector<64x64xf32>
    %get3A_338 = arith.constant 1 : index
    %get3A_339 = arith.constant 0 : index
    %get3A_340 = vector.load %arg6[%get3A_338, %get3A_339] : memref<2x64xf32, #tpu.memory_space<vmem>>, vector<1x64xf32>
    %get3A_341 = vector.shape_cast %get3A_340 : vector<1x64xf32> to vector<64xf32>
    %dot_general3A_342 = arith.constant dense<0.000000e+00> : vector<3072x64xf32>
    %dot_general3A_343 = tpu.matmul %add3A_249, %get3A_337, %dot_general3A_342 {dimension_numbers = #tpu.dot_dimension_numbers<[1], [1], [0], [0], [0, 0, 1, 0], [], []>, transpose_lhs_hint = false} : vector<3072x64xf32>, vector<64x64xf32>, vector<3072x64xf32> -> vector<3072x64xf32>
    %reshape3A_344 = vector.shape_cast %get3A_341 : vector<64xf32> to vector<1x64xf32>
    %add3A_345 = vector.broadcast %reshape3A_344 : vector<1x64xf32> to vector<3072x64xf32>
    %add3A_346 = arith.addf %dot_general3A_343, %add3A_345 : vector<3072x64xf32>
    %get3A_347 = arith.constant 1 : index
    %get3A_348 = arith.constant 0 : index
    %get3A_349 = arith.constant 0 : index
    %get3A_350 = vector.load %arg5[%get3A_347, %get3A_348, %get3A_349] : memref<2x64x64xf32, #tpu.memory_space<vmem>>, vector<1x64x64xf32>
    %get3A_351 = vector.shape_cast %get3A_350 : vector<1x64x64xf32> to vector<64x64xf32>
    %get3A_352 = arith.constant 1 : index
    %get3A_353 = arith.constant 0 : index
    %get3A_354 = vector.load %arg6[%get3A_352, %get3A_353] : memref<2x64xf32, #tpu.memory_space<vmem>>, vector<1x64xf32>
    %get3A_355 = vector.shape_cast %get3A_354 : vector<1x64xf32> to vector<64xf32>
    %dot_general3A_356 = arith.constant dense<0.000000e+00> : vector<3072x64xf32>
    %dot_general3A_357 = tpu.matmul %add3A_304, %get3A_351, %dot_general3A_356 {dimension_numbers = #tpu.dot_dimension_numbers<[1], [1], [0], [0], [0, 0, 1, 0], [], []>, transpose_lhs_hint = false} : vector<3072x64xf32>, vector<64x64xf32>, vector<3072x64xf32> -> vector<3072x64xf32>
    %reshape3A_358 = vector.shape_cast %get3A_355 : vector<64xf32> to vector<1x64xf32>
    %add3A_359 = vector.broadcast %reshape3A_358 : vector<1x64xf32> to vector<3072x64xf32>
    %add3A_360 = arith.addf %dot_general3A_357, %add3A_359 : vector<3072x64xf32>
    %get3A_361 = arith.constant 1 : index
    %get3A_362 = arith.constant 0 : index
    %get3A_363 = arith.constant 0 : index
    %get3A_364 = vector.load %arg7[%get3A_361, %get3A_362, %get3A_363] : memref<2x64x64xf32, #tpu.memory_space<vmem>>, vector<1x64x64xf32>
    %get3A_365 = vector.shape_cast %get3A_364 : vector<1x64x64xf32> to vector<64x64xf32>
    %get3A_366 = arith.constant 1 : index
    %get3A_367 = arith.constant 0 : index
    %get3A_368 = vector.load %arg8[%get3A_366, %get3A_367] : memref<2x64xf32, #tpu.memory_space<vmem>>, vector<1x64xf32>
    %get3A_369 = vector.shape_cast %get3A_368 : vector<1x64xf32> to vector<64xf32>
    %dot_general3A_370 = arith.constant dense<0.000000e+00> : vector<3072x64xf32>
    %dot_general3A_371 = tpu.matmul %add3A_194, %get3A_365, %dot_general3A_370 {dimension_numbers = #tpu.dot_dimension_numbers<[1], [1], [0], [0], [0, 0, 1, 0], [], []>, transpose_lhs_hint = false} : vector<3072x64xf32>, vector<64x64xf32>, vector<3072x64xf32> -> vector<3072x64xf32>
    %reshape3A_372 = vector.shape_cast %get3A_369 : vector<64xf32> to vector<1x64xf32>
    %add3A_373 = vector.broadcast %reshape3A_372 : vector<1x64xf32> to vector<3072x64xf32>
    %add3A_374 = arith.addf %dot_general3A_371, %add3A_373 : vector<3072x64xf32>
    %get3A_375 = arith.constant 1 : index
    %get3A_376 = arith.constant 0 : index
    %get3A_377 = arith.constant 0 : index
    %get3A_378 = vector.load %arg7[%get3A_375, %get3A_376, %get3A_377] : memref<2x64x64xf32, #tpu.memory_space<vmem>>, vector<1x64x64xf32>
    %get3A_379 = vector.shape_cast %get3A_378 : vector<1x64x64xf32> to vector<64x64xf32>
    %get3A_380 = arith.constant 1 : index
    %get3A_381 = arith.constant 0 : index
    %get3A_382 = vector.load %arg8[%get3A_380, %get3A_381] : memref<2x64xf32, #tpu.memory_space<vmem>>, vector<1x64xf32>
    %get3A_383 = vector.shape_cast %get3A_382 : vector<1x64xf32> to vector<64xf32>
    %dot_general3A_384 = arith.constant dense<0.000000e+00> : vector<3072x64xf32>
    %dot_general3A_385 = tpu.matmul %add3A_249, %get3A_379, %dot_general3A_384 {dimension_numbers = #tpu.dot_dimension_numbers<[1], [1], [0], [0], [0, 0, 1, 0], [], []>, transpose_lhs_hint = false} : vector<3072x64xf32>, vector<64x64xf32>, vector<3072x64xf32> -> vector<3072x64xf32>
    %reshape3A_386 = vector.shape_cast %get3A_383 : vector<64xf32> to vector<1x64xf32>
    %add3A_387 = vector.broadcast %reshape3A_386 : vector<1x64xf32> to vector<3072x64xf32>
    %add3A_388 = arith.addf %dot_general3A_385, %add3A_387 : vector<3072x64xf32>
    %get3A_389 = arith.constant 1 : index
    %get3A_390 = arith.constant 0 : index
    %get3A_391 = arith.constant 0 : index
    %get3A_392 = vector.load %arg7[%get3A_389, %get3A_390, %get3A_391] : memref<2x64x64xf32, #tpu.memory_space<vmem>>, vector<1x64x64xf32>
    %get3A_393 = vector.shape_cast %get3A_392 : vector<1x64x64xf32> to vector<64x64xf32>
    %get3A_394 = arith.constant 1 : index
    %get3A_395 = arith.constant 0 : index
    %get3A_396 = vector.load %arg8[%get3A_394, %get3A_395] : memref<2x64xf32, #tpu.memory_space<vmem>>, vector<1x64xf32>
    %get3A_397 = vector.shape_cast %get3A_396 : vector<1x64xf32> to vector<64xf32>
    %dot_general3A_398 = arith.constant dense<0.000000e+00> : vector<3072x64xf32>
    %dot_general3A_399 = tpu.matmul %add3A_304, %get3A_393, %dot_general3A_398 {dimension_numbers = #tpu.dot_dimension_numbers<[1], [1], [0], [0], [0, 0, 1, 0], [], []>, transpose_lhs_hint = false} : vector<3072x64xf32>, vector<64x64xf32>, vector<3072x64xf32> -> vector<3072x64xf32>
    %reshape3A_400 = vector.shape_cast %get3A_397 : vector<64xf32> to vector<1x64xf32>
    %add3A_401 = vector.broadcast %reshape3A_400 : vector<1x64xf32> to vector<3072x64xf32>
    %add3A_402 = arith.addf %dot_general3A_399, %add3A_401 : vector<3072x64xf32>
    %mul3A_403 = arith.mulf %add3A_318, %add3A_332 : vector<3072x64xf32>
    %reduce_sum3A_404 = arith.constant dense<0.000000e+00> : vector<3072xf32>
    %reduce_sum3A_405 = vector.multi_reduction <add>, %mul3A_403, %reduce_sum3A_404 [1] : vector<3072x64xf32> to vector<3072xf32>
    %broadcast_in_dim3A_406 = vector.shape_cast %reduce_sum3A_405 : vector<3072xf32> to vector<3072x1xf32>
    %div3A_407 = arith.constant 4.000000e+00 : f32
    %div3A_408 = vector.broadcast %div3A_407 : f32 to vector<3072x1xf32>
    %div3A_409 = arith.divf %broadcast_in_dim3A_406, %div3A_408 : vector<3072x1xf32>
    %mul3A_410 = arith.mulf %add3A_318, %add3A_346 : vector<3072x64xf32>
    %reduce_sum3A_411 = arith.constant dense<0.000000e+00> : vector<3072xf32>
    %reduce_sum3A_412 = vector.multi_reduction <add>, %mul3A_410, %reduce_sum3A_411 [1] : vector<3072x64xf32> to vector<3072xf32>
    %broadcast_in_dim3A_413 = vector.shape_cast %reduce_sum3A_412 : vector<3072xf32> to vector<3072x1xf32>
    %div3A_414 = arith.constant 4.000000e+00 : f32
    %div3A_415 = vector.broadcast %div3A_414 : f32 to vector<3072x1xf32>
    %div3A_416 = arith.divf %broadcast_in_dim3A_413, %div3A_415 : vector<3072x1xf32>
    %mul3A_417 = arith.mulf %add3A_318, %add3A_360 : vector<3072x64xf32>
    %reduce_sum3A_418 = arith.constant dense<0.000000e+00> : vector<3072xf32>
    %reduce_sum3A_419 = vector.multi_reduction <add>, %mul3A_417, %reduce_sum3A_418 [1] : vector<3072x64xf32> to vector<3072xf32>
    %broadcast_in_dim3A_420 = vector.shape_cast %reduce_sum3A_419 : vector<3072xf32> to vector<3072x1xf32>
    %div3A_421 = arith.constant 4.000000e+00 : f32
    %div3A_422 = vector.broadcast %div3A_421 : f32 to vector<3072x1xf32>
    %div3A_423 = arith.divf %broadcast_in_dim3A_420, %div3A_422 : vector<3072x1xf32>
    %max3A_424 = arith.maximumf %div3A_409, %div3A_416 : vector<3072x1xf32>
    %max3A_425 = arith.maximumf %max3A_424, %div3A_423 : vector<3072x1xf32>
    %sub3A_426 = arith.subf %div3A_409, %max3A_425 : vector<3072x1xf32>
    %exp3A_427 = math.exp %sub3A_426 : vector<3072x1xf32>
    %sub3A_428 = arith.subf %div3A_416, %max3A_425 : vector<3072x1xf32>
    %exp3A_429 = math.exp %sub3A_428 : vector<3072x1xf32>
    %sub3A_430 = arith.subf %div3A_423, %max3A_425 : vector<3072x1xf32>
    %exp3A_431 = math.exp %sub3A_430 : vector<3072x1xf32>
    %add3A_432 = arith.addf %exp3A_427, %exp3A_429 : vector<3072x1xf32>
    %add3A_433 = arith.addf %add3A_432, %exp3A_431 : vector<3072x1xf32>
    %mul3A_434 = vector.broadcast %exp3A_427 : vector<3072x1xf32> to vector<3072x64xf32>
    %mul3A_435 = arith.mulf %mul3A_434, %add3A_374 : vector<3072x64xf32>
    %mul3A_436 = vector.broadcast %exp3A_429 : vector<3072x1xf32> to vector<3072x64xf32>
    %mul3A_437 = arith.mulf %mul3A_436, %add3A_388 : vector<3072x64xf32>
    %add3A_438 = arith.addf %mul3A_435, %mul3A_437 : vector<3072x64xf32>
    %mul3A_439 = vector.broadcast %exp3A_431 : vector<3072x1xf32> to vector<3072x64xf32>
    %mul3A_440 = arith.mulf %mul3A_439, %add3A_402 : vector<3072x64xf32>
    %add3A_441 = arith.addf %add3A_438, %mul3A_440 : vector<3072x64xf32>
    %div3A_442 = vector.broadcast %add3A_433 : vector<3072x1xf32> to vector<3072x64xf32>
    %div3A_443 = arith.divf %add3A_441, %div3A_442 : vector<3072x64xf32>
    %get3A_444 = arith.constant 1 : index
    %get3A_445 = arith.constant 0 : index
    %get3A_446 = arith.constant 0 : index
    %get3A_447 = vector.load %arg9[%get3A_444, %get3A_445, %get3A_446] : memref<2x64x64xf32, #tpu.memory_space<vmem>>, vector<1x64x64xf32>
    %get3A_448 = vector.shape_cast %get3A_447 : vector<1x64x64xf32> to vector<64x64xf32>
    %get3A_449 = arith.constant 1 : index
    %get3A_450 = arith.constant 0 : index
    %get3A_451 = vector.load %arg10[%get3A_449, %get3A_450] : memref<2x64xf32, #tpu.memory_space<vmem>>, vector<1x64xf32>
    %get3A_452 = vector.shape_cast %get3A_451 : vector<1x64xf32> to vector<64xf32>
    %dot_general3A_453 = arith.constant dense<0.000000e+00> : vector<3072x64xf32>
    %dot_general3A_454 = tpu.matmul %div3A_443, %get3A_448, %dot_general3A_453 {dimension_numbers = #tpu.dot_dimension_numbers<[1], [1], [0], [0], [0, 0, 1, 0], [], []>, transpose_lhs_hint = false} : vector<3072x64xf32>, vector<64x64xf32>, vector<3072x64xf32> -> vector<3072x64xf32>
    %reshape3A_455 = vector.shape_cast %get3A_452 : vector<64xf32> to vector<1x64xf32>
    %add3A_456 = vector.broadcast %reshape3A_455 : vector<1x64xf32> to vector<3072x64xf32>
    %add3A_457 = arith.addf %dot_general3A_454, %add3A_456 : vector<3072x64xf32>
    %get3A_458 = arith.constant 0 : index
    %get3A_459 = arith.constant 0 : index
    %get3A_460 = vector.load %arg11[%get3A_458, %get3A_459] : memref<64x64xf32, #tpu.memory_space<vmem>>, vector<64x64xf32>
    %get3A_461 = arith.constant 0 : index
    %get3A_462 = vector.load %arg12[%get3A_461] : memref<64xf32, #tpu.memory_space<vmem>>, vector<64xf32>
    %dot_general3A_463 = arith.constant dense<0.000000e+00> : vector<3072x64xf32>
    %dot_general3A_464 = tpu.matmul %add3A_457, %get3A_460, %dot_general3A_463 {dimension_numbers = #tpu.dot_dimension_numbers<[1], [1], [0], [0], [0, 0, 1, 0], [], []>, transpose_lhs_hint = false} : vector<3072x64xf32>, vector<64x64xf32>, vector<3072x64xf32> -> vector<3072x64xf32>
    %reshape3A_465 = vector.shape_cast %get3A_462 : vector<64xf32> to vector<1x64xf32>
    %add3A_466 = vector.broadcast %reshape3A_465 : vector<1x64xf32> to vector<3072x64xf32>
    %add3A_467 = arith.addf %dot_general3A_464, %add3A_466 : vector<3072x64xf32>
    %tanh3A = math.tanh %add3A_467 : vector<3072x64xf32>
    %get3A_468 = arith.constant 0 : index
    %get3A_469 = arith.constant 0 : index
    %get3A_470 = vector.load %arg13[%get3A_468, %get3A_469] : memref<12x64xf32, #tpu.memory_space<vmem>>, vector<12x64xf32>
    %get3A_471 = arith.constant 0 : index
    %get3A_472 = vector.load %arg14[%get3A_471] : memref<12xf32, #tpu.memory_space<vmem>>, vector<12xf32>
    %dot_general3A_473 = arith.constant dense<0.000000e+00> : vector<3072x12xf32>
    %dot_general3A_474 = tpu.matmul %tanh3A, %get3A_470, %dot_general3A_473 {dimension_numbers = #tpu.dot_dimension_numbers<[1], [1], [0], [0], [0, 0, 1, 0], [], []>, transpose_lhs_hint = false} : vector<3072x64xf32>, vector<12x64xf32>, vector<3072x12xf32> -> vector<3072x12xf32>
    %reshape3A_475 = vector.shape_cast %get3A_472 : vector<12xf32> to vector<1x12xf32>
    %add3A_476 = vector.broadcast %reshape3A_475 : vector<1x12xf32> to vector<3072x12xf32>
    %add3A_477 = arith.addf %dot_general3A_474, %add3A_476 : vector<3072x12xf32>
    %slice3A_478 = vector.extract_strided_slice %add3A_477 {offsets = [0, 0], sizes = [1024, 12], strides = [1, 1]} : vector<3072x12xf32> to vector<1024x12xf32>
    %slice3A_479 = vector.extract_strided_slice %add3A_477 {offsets = [1024, 0], sizes = [1024, 12], strides = [1, 1]} : vector<3072x12xf32> to vector<1024x12xf32>
    %add3A_480 = arith.addf %slice3A_478, %slice3A_479 : vector<1024x12xf32>
    %slice3A_481 = vector.extract_strided_slice %add3A_477 {offsets = [2048, 0], sizes = [1024, 12], strides = [1, 1]} : vector<3072x12xf32> to vector<1024x12xf32>
    %add3A_482 = arith.addf %add3A_480, %slice3A_481 : vector<1024x12xf32>
    %div3A_483 = arith.constant 3.000000e+00 : f32
    %div3A_484 = vector.broadcast %div3A_483 : f32 to vector<1024x12xf32>
    %div3A_485 = arith.divf %add3A_482, %div3A_484 : vector<1024x12xf32>
    %iota3A_486 = tpu.iota {dimensions = array<i32: 1>} : vector<1024x12xi32>
    %broadcast_in_dim3A_487 = arith.constant 0.000000e+00 : f32
    %broadcast_in_dim3A_488 = vector.broadcast %broadcast_in_dim3A_487 : f32 to vector<1024x12xf32>
    %slice3A_489 = vector.extract_strided_slice %convert_element_type3A {offsets = [0, 0], sizes = [1024, 1], strides = [1, 1]} : vector<3072x1xi32> to vector<1024x1xi32>
    %eq3A_490 = vector.broadcast %slice3A_489 : vector<1024x1xi32> to vector<1024x12xi32>
    %eq3A_491 = arith.cmpi eq, %iota3A_486, %eq3A_490 : vector<1024x12xi32>
    %jit3A_492 = arith.constant 1.000000e+00 : f32
    %jit3A_493 = arith.constant 0.000000e+00 : f32
    %broadcast_in_dim3A_494 = vector.broadcast %jit3A_492 : f32 to vector<1024x12xf32>
    %broadcast_in_dim3A_495 = vector.broadcast %jit3A_493 : f32 to vector<1024x12xf32>
    %select_n3A_496 = arith.select %eq3A_491, %broadcast_in_dim3A_494, %broadcast_in_dim3A_495 : vector<1024x12xi1>, vector<1024x12xf32>
    %add3A_497 = arith.addf %broadcast_in_dim3A_488, %select_n3A_496 : vector<1024x12xf32>
    %slice3A_498 = vector.extract_strided_slice %convert_element_type3A {offsets = [1024, 0], sizes = [1024, 1], strides = [1, 1]} : vector<3072x1xi32> to vector<1024x1xi32>
    %eq3A_499 = vector.broadcast %slice3A_498 : vector<1024x1xi32> to vector<1024x12xi32>
    %eq3A_500 = arith.cmpi eq, %iota3A_486, %eq3A_499 : vector<1024x12xi32>
    %jit3A_501 = arith.constant 1.000000e+00 : f32
    %jit3A_502 = arith.constant 0.000000e+00 : f32
    %broadcast_in_dim3A_503 = vector.broadcast %jit3A_501 : f32 to vector<1024x12xf32>
    %broadcast_in_dim3A_504 = vector.broadcast %jit3A_502 : f32 to vector<1024x12xf32>
    %select_n3A_505 = arith.select %eq3A_500, %broadcast_in_dim3A_503, %broadcast_in_dim3A_504 : vector<1024x12xi1>, vector<1024x12xf32>
    %add3A_506 = arith.addf %add3A_497, %select_n3A_505 : vector<1024x12xf32>
    %slice3A_507 = vector.extract_strided_slice %convert_element_type3A {offsets = [2048, 0], sizes = [1024, 1], strides = [1, 1]} : vector<3072x1xi32> to vector<1024x1xi32>
    %eq3A_508 = vector.broadcast %slice3A_507 : vector<1024x1xi32> to vector<1024x12xi32>
    %eq3A_509 = arith.cmpi eq, %iota3A_486, %eq3A_508 : vector<1024x12xi32>
    %jit3A_510 = arith.constant 1.000000e+00 : f32
    %jit3A_511 = arith.constant 0.000000e+00 : f32
    %broadcast_in_dim3A_512 = vector.broadcast %jit3A_510 : f32 to vector<1024x12xf32>
    %broadcast_in_dim3A_513 = vector.broadcast %jit3A_511 : f32 to vector<1024x12xf32>
    %select_n3A_514 = arith.select %eq3A_509, %broadcast_in_dim3A_512, %broadcast_in_dim3A_513 : vector<1024x12xi1>, vector<1024x12xf32>
    %add3A_515 = arith.addf %add3A_506, %select_n3A_514 : vector<1024x12xf32>
    %reduce_sum3A_516 = arith.constant dense<0.000000e+00> : vector<1024xf32>
    %reduce_sum3A_517 = vector.multi_reduction <add>, %add3A_515, %reduce_sum3A_516 [1] : vector<1024x12xf32> to vector<1024xf32>
    %broadcast_in_dim3A_518 = vector.shape_cast %reduce_sum3A_517 : vector<1024xf32> to vector<1024x1xf32>
    %div3A_519 = vector.broadcast %broadcast_in_dim3A_518 : vector<1024x1xf32> to vector<1024x12xf32>
    %div3A_520 = arith.divf %add3A_515, %div3A_519 : vector<1024x12xf32>
    %mul3A_521 = arith.constant 5.000000e-01 : f32
    %mul3A_522 = vector.broadcast %mul3A_521 : f32 to vector<1024x12xf32>
    %mul3A_523 = arith.mulf %div3A_485, %mul3A_522 : vector<1024x12xf32>
    %mul3A_524 = arith.constant 5.000000e-01 : f32
    %mul3A_525 = vector.broadcast %mul3A_524 : f32 to vector<1024x12xf32>
    %mul3A_526 = arith.mulf %div3A_520, %mul3A_525 : vector<1024x12xf32>
    %add3A_527 = arith.addf %mul3A_523, %mul3A_526 : vector<1024x12xf32>
    %swap3A = arith.constant 0 : index
    %swap3A_528 = arith.constant 0 : index
    %swap3A_529 = vector.load %arg15[%swap3A, %swap3A_528] : memref<1024x12xf32, #tpu.memory_space<vmem>>, vector<1024x12xf32>
    tpu.vector_store %arg15[%swap3A, %swap3A_528], %add3A_527 {strides = array<i32>} : memref<1024x12xf32, #tpu.memory_space<vmem>>, vector<1024x12xf32>,
    return
  }
}

</mosaic_0001>

<sc_bundles>
// kernel: kernel.5.cloned.1.call-start
scs
__scs_entry_jumppad:
0x0: {  	(pc) =	sbr.rel $0x88, $3  }
0x1: {  	(tag) =	ssettag $0x0;
	lr =	simm.s32 $0x1  }
0x2: {  	[smem:$0x3F93] =	sst lr;
	_ =	strace $0xD0000000  }
0x3: {  	_ = 	snop  }
0x4: {  	_ = 	snop  }
0x5: {  	_ = 	snop  }
0x6: {  	_ = 	snop  }
0x7: {  	_ = 	snop  }
__scs_overlays_trampoline_lowered:
0x8: {  	[smem:$0x3FA2] =	sst s0  }
0x9: {  	[smem:$0x3FA3] =	sst s1  }
0xa: {  	[smem:$0x3FA4] =	sst s2  }
0xb: {  	[smem:$0x3FA5] =	sst s3  }
0xc: {  	[smem:$0x3FA6] =	sst s4  }
0xd: {  	[smem:$0x3FA7] =	sst s5  }
0xe: {  	[smem:$0x3FA8] =	sst s6  }
0xf: {  	[smem:$0x3FA9] =	sst s7  }
0x10: {  	[smem:$0x3FAA] =	sst s8  }
0x11: {  	[smem:$0x3FAB] =	sst s9;
	s0 =	simm.s32 @!p0 $0x0  }
0x12: {  	s1 =	sld [smem:$0x3F91];
	s0 =	simm.s32 @p0 $0x1  }
0x13: {  	[smem:$0x3FAC] =	sst s0;
	s0 =	simm.s32 @!p1 $0x0  }
0x14: {  	s2 =	sld [smem:$0x3F90];
	s0 =	simm.s32 @p1 $0x1  }
0x15: {  	[smem:$0x3FAD] =	sst s0;
	s0 =	simm.s32 @!p2 $0x0  }
0x16: {  	s3 =	sld [smem:$0x3FDB];
	s0 =	simm.s32 @p2 $0x1  }
0x17: {  	s4 =	simm.s32 $0x1BF5;
	[smem:$0x3FAF] =	sst s0  }
0x18: {  	s0 =	sld [smem:$0x3F92];
	_ =	swait.ge [sflag:s4], $0x0  }
0x19: {  	s7 =	sld [smem:$0x3F93]  }
0x1a: {  	s8 =	sadd.s32 $0xFFFFE003, lr  }
0x1b: {  	s9 =	sadd.s32 $0xFFFFFEF7, lr;
	s5 =	simm.s32 $0xFFFFFFFF;
	p2 =	slt.u32 s8, $0xFFFFF086  }
0x1c: {  	p1 =	slt.u32 s9, $0xF7A;
	s5 =	simm.s32 @!p2 $0x0  }
0x1d: {  	s5 =	simm.s32 @p1 $0x1;
	p0 =	seq.s32 s7, s2  }
0x1e: {  	s7 =	smul.u32 @!p0 $0xF7A, s2;
	p2 =	seq.s32 @!p0 s5, $0x0  }
0x1f: {  	s9 =	smul.u32 $0xF7A, s1;
	s8 =	simm.s32 @!p0 $0x1BF5;
	p2 =	por !p2, p0  }
0x20: {  	[sflag:s8] =	ssyncset.s32 @!p0 $0xFFFFF086;
	s6 =	sadd.s32 @!p0 s3, s7;
	s7 =	simm.s32 @!p0 $0x108  }
0x21: {  	s3 =	sadd.s32 s3, s9;
	s6 =	sadd.s32 @!p0 $0x88, s6;
	s7 =	simm.s32 @p2 $0x1082  }
0x22: {  	[simem:s7], [sflag:s8] =	dma.local @!p0 [hbm:s6], $0xF7A  }
0x23: {  	s9 =	sor.u32 $0xD0000000, s2;
	s6 =	simm.s32 $0x108;
	_ =	swait.ge @!p0 [sflag:s8], $0x0  }
0x24: {  	s3 =	sadd.s32 $0x88, s3;
	s6 =	simm.s32 @!p1 $0x1082;
	[sflag:s4] =	ssyncset.s32 $0xFFFFF086  }
0x25: {  	[simem:s6], [sflag:s4] =	dma.local [hbm:s3], $0xF7A  }
0x26: {  	[smem:$0x3F93] =	sst s1;
	(tag) =	ssettag s2;
	_ =	strace s9  }
0x27: {  	s1 =	sld [smem:$0x3FA3]  }
0x28: {  	s2 =	sld [smem:$0x3FA4]  }
0x29: {  	s4 =	sld [smem:$0x3FA6]  }
0x2a: {  	p0 =	seq.s32 s5, $0x0;
	s5 =	sld [smem:$0x3FA7]  }
0x2b: {  	s6 =	sld [smem:$0x3FA8]  }
0x2c: {  	s7 =	sld [smem:$0x3FA9]  }
0x2d: {  	s3 =	simm.s32 $0x108;
	s8 =	sld [smem:$0x3FAA]  }
0x2e: {  	s3 =	simm.s32 @!p0 $0x1082;
	s9 =	sld [smem:$0x3FAB]  }
0x2f: {  	lr =	sadd.s32 s0, s3;
	s0 =	sld [smem:$0x3FA2]  }
0x30: {  	s3 =	sld [smem:$0x3FA5]  }
0x31: {  	[smem:$0x3FAE] =	sst s10  }
0x32: {  	s10 =	sld [smem:$0x3FAC];
	_ =	sdelay $0x3  }
0x33: {  	p0 =	seq.s32 s10, $0x1;
	s10 =	sld [smem:$0x3FAE];
	_ =	sdelay $0x3  }
0x34: {  	[smem:$0x3FAE] =	sst s10  }
0x35: {  	s10 =	sld [smem:$0x3FAD];
	_ =	sdelay $0x3  }
0x36: {  	p1 =	seq.s32 s10, $0x1;
	s10 =	sld [smem:$0x3FAE];
	_ =	sdelay $0x3  }
0x37: {  	[smem:$0x3FAE] =	sst s10  }
0x38: {  	s10 =	sld [smem:$0x3FAF]  }
0x39: {  	_ = 	snop;
	(pc) =	sbr.ind lr, $3  }
0x3a: {  	_ = 	snop  }
0x3b: {  	_ = 	snop  }
0x3c: {  	p2 =	seq.s32 s10, $0x1;
	s10 =	sld [smem:$0x3FAE]  }
0x3d: {  	_ =	shalt  }
0x3e: {  	_ =	shalt  }
0x3f: {  	_ =	shalt  }
0x40: {  	_ =	shalt  }
0x41: {  	_ =	shalt  }
0x42: {  	_ =	shalt  }
0x43: {  	_ =	shalt  }
0x44: {  	_ =	shalt  }
0x45: {  	_ =	shalt  }
0x46: {  	_ =	shalt  }
0x47: {  	_ =	shalt  }
0x48: {  	_ =	shalt  }
0x49: {  	_ =	shalt  }
0x4a: {  	_ =	shalt  }
0x4b: {  	_ =	shalt  }
0x4c: {  	_ =	shalt  }
0x4d: {  	_ =	shalt  }
0x4e: {  	_ =	shalt  }
0x4f: {  	_ =	shalt  }
0x50: {  	_ =	shalt  }
0x51: {  	_ =	shalt  }
0x52: {  	_ =	shalt  }
0x53: {  	_ =	shalt  }
0x54: {  	_ =	shalt  }
0x55: {  	_ =	shalt  }
0x56: {  	_ =	shalt  }
0x57: {  	_ =	shalt  }
0x58: {  	_ =	shalt  }
0x59: {  	_ =	shalt  }
0x5a: {  	_ =	shalt  }
0x5b: {  	_ =	shalt  }
0x5c: {  	_ =	shalt  }
0x5d: {  	_ =	shalt  }
0x5e: {  	_ =	shalt  }
0x5f: {  	_ =	shalt  }
0x60: {  	_ =	shalt  }
0x61: {  	_ =	shalt  }
0x62: {  	_ =	shalt  }
0x63: {  	_ =	shalt  }
0x64: {  	_ =	shalt  }
0x65: {  	_ =	shalt  }
0x66: {  	_ =	shalt  }
0x67: {  	_ =	shalt  }
0x68: {  	_ =	shalt  }
0x69: {  	_ =	shalt  }
0x6a: {  	_ =	shalt  }
0x6b: {  	_ =	shalt  }
0x6c: {  	_ =	shalt  }
0x6d: {  	_ =	shalt  }
0x6e: {  	_ =	shalt  }
0x6f: {  	_ =	shalt  }
0x70: {  	_ =	shalt  }
0x71: {  	_ =	shalt  }
0x72: {  	_ =	shalt  }
0x73: {  	_ =	shalt  }
0x74: {  	_ =	shalt  }
0x75: {  	_ =	shalt  }
0x76: {  	_ =	shalt  }
0x77: {  	_ =	shalt  }
0x78: {  	_ =	shalt  }
0x79: {  	_ =	shalt  }
0x7a: {  	_ =	shalt  }
0x7b: {  	_ =	shalt  }
0x7c: {  	_ =	shalt  }
0x7d: {  	_ =	shalt  }
0x7e: {  	_ =	shalt  }
0x7f: {  	_ =	shalt  }
0x80: {  	_ =	shalt  }
0x81: {  	_ =	shalt  }
0x82: {  	_ =	shalt  }
0x83: {  	_ =	shalt  }
0x84: {  	_ =	shalt  }
0x85: {  	_ =	shalt  }
0x86: {  	_ =	shalt  }
0x87: {  	_ =	shalt  }
.Lfunc_end0:
.L_simem_size_0:
called_computation_lowered:
.L_overlay_start_0:
0x88: {  	s2 =	sld [smem:$0x3FD9]  }
0x89: {  	s3 =	sld [smem:$0x3FFE];
	_ =	sdelay $0x1  }
0x8a: {  	s1 =	srdreg.scid  }
0x8b: {  	s0 =	sand.u32 $0x1, s1  }
0x8c: {  	s17 =	sshll.u32 s0, $0xA;
	s2 =	sadd.s32 s3, s2  }
0x8d: {  	s2 =	sadd.s32 s2, s17  }
0x8e: {  	[smem:$0x3FBA] =	sst s2  }
0x8f: {  	_ = 	snop  }
0x90: {  	s2 =	sld [smem:$0x3FD0];
	(tm) =	ssettm $0x1  }
0x91: {  	s18 =	sld [smem:$0x3FFB];
	_ =	sdelay $0x3  }
0x92: {  	_ =	strace s18  }
0x93: {  	s3 =	sld [smem:$0x3FFC];
	_ =	sdelay $0x3  }
0x94: {  	_ =	strace s3  }
0x95: {  	s3 =	sld [smem:$0x3FFD];
	_ =	sdelay $0x3  }
0x96: {  	_ =	strace s3  }
0x97: {  	_ =	strace $0x8FFFFFFF  }
0x98: {  	s19 =	sld [smem:$0x3FDB];
	_ =	sdelay $0x1  }
0x99: {  	s4 =	simm.s32 $_scs_section_size  }
0x9a: {  	s5 =	simm.s32 $_size__tile_overlayer_lowered;
	s6 =	simm.s32 $_tile_overlayer_lowered  }
0x9b: {  	s22 =	simm.s32 $0x1BFF;
	s21 =	sshll.u32 s6, $0x1;
	s3 =	sadd.s32 s4, s19  }
0x9c: {  	s7 =	simm.s32 $0x0;
	s20 =	sshll.u32 s5, $0x1;
	s5 =	sadd.s32 s21, s3  }
0x9d: {  	[timem:s7], [sflag:s22] =	dma.local [hbm:s5], s20  }
0x9e: {  	_ =	swait.ge [sflag:s22], s20  }
0x9f: {  	s4 =	ssub.s32 $0x0, s20;
	[sflag:s22] =	ssyncset.done $0x0  }
0xa0: {  	[sflag:s22] =	ssyncadd.s32 s4;
	_ =	sdelay $0x1  }
0xa1: {  	s23 =	simm.s32 $0x1B8B  }
0xa2: {  	_ =	swait.ge [sflag:s23], $0x1  }
0xa3: {  	[sflag:s23] =	ssyncset.done $0x0  }
0xa4: {  	s25 =	simm.s32 $0x1B8E;
	s24 =	sld [smem:$0x3FFE];
	[sflag:s23] =	ssyncadd.s32 $0xFFFFFFFF  }
0xa5: {  	s26 =	simm.s32 $execute0_lowered;
	[smem:$0x3FD2] =	sst s25  }
0xa6: {  	s5 =	sshll.u32 s26, $0x1;
	_ =	strace $0x80000046;
	[dreg:$0x1] =	wrdreg $0xFFFFFFFF  }
0xa7: {  	s28 =	simm.s32 $_size_execute0_lowered;
	s3 =	sadd.s32 s3, s5;
	[dreg:$0x0] =	wrdreg $0x0  }
0xa8: {  	s5 =	sshll.u32 s28, $0x1;
	[dreg:$0x2] =	wrdreg s3  }
0xa9: {  	[dreg:$0x3] =	wrdreg s5  }
0xaa: {  	[dreg:$0x4] =	wrdreg $0xC0  }
0xab: {  	_ =	task [dreg:s7], $0x5FFFF  }
0xac: {  	[dreg:$0x1] =	wrdreg $0xFFFFFFFF  }
0xad: {  	[dreg:$0x0] =	wrdreg $0x60  }
0xae: {  	[dreg:$0x2] =	wrdreg s24  }
0xaf: {  	[dreg:$0x3] =	wrdreg s2  }
0xb0: {  	[dreg:$0x4] =	wrdreg $0x9  }
0xb1: {  	_ =	task.clear_ibuf [dreg:s7], $0x5FFFF;
	_ =	strace $0x90000046  }
0xb2: {  	s29 =	simm.s32 $0x9;
	_ =	strace $0x80000048  }
0xb3: {  	_ =	swait.ge [sflag:s29], $0x1  }
0xb4: {  	[sflag:s29] =	ssyncadd.s32 $0xFFFFFFFF  }
0xb5: {  	_ =	strace $0x90000048  }
0xb6: {  	_ =	sfence  }
0xb7: {  	s30 =	sld [smem:$0x0];
	_ =	sdelay $0x2  }
0xb8: {  	s31 =	sshll.u32 s1, $0xD;
	s1 =	sshrl.u32 s1, $0x2  }
0xb9: {  	s3 =	sand.u32 $0x4000, s31;
	s1 =	sadd.s32 s1, s30  }
0xba: {  	s0 =	sor.u32 s3, s0;
	s1 =	sshll.u32 s1, $0x11  }
0xbb: {  	s0 =	sor.u32 s1, s0  }
0xbc: {  	s0 =	sadd.s32 $0x8F2B, s0  }
0xbd: {  	[sflag:s0] =	ssyncadd.remote.s32 $0x1  }
0xbe: {  	_ =	sfence.sel $0xFFFF  }
0xbf: {  	[dreg:$0x0] =	wrdreg $0xFFFFFFFF;
	(pc) =	sbr.abs _section_cstart, $3  }
0xc0: {  	[dreg:$0x1] =	wrdreg $0xFFFFFFFF  }
0xc1: {  	_ =	task.clear_ibuf [dreg:s7], $0x2FFFF;
	_ =	strace $0x9FFFFFFF  }
0xc2: {  	(tm) =	ssettm $0x7FFFFFFF  }
0xc3: {  	_ =	shalt  }
tec
execute0_lowered:
.L_overlay_start_1:
0x0: {  	(tag) =	ssettag $0x1  }
0x1: {  	s1 =	srdreg.scid  }
0x2: {  	s0 =	stileid.u32;
	s9 =	rddreg [dreg:$0x0]  }
0x3: {  	s3 =	rddreg [dreg:$0x1];
	s6 =	sand.u32 $0x1, s1;
	s30 =	sshll.u32 s0, $0x1  }
0x4: {  	s2 =	simm.s32 $0x0;
	s1 =	rddreg [dreg:$0x2];
	s7 =	sor.u32 s6, s30  }
0x5: {  	s8 =	simm.s32 $0x1;
	[smem:$0x7FF] =	sst s2;
	s4 =	smul.u32 $0xC, s7  }
0x6: {  	s5 =	sadd.s32 $0x188C00, s9;
	_ =	strace $0x80000047;
	s11 =	ssub.s32 $0x2, s6  }
0x7: {  	s6 =	simm.s32 $0x60;
	s4 =	sadd.s32 s3, s4;
	s3 =	simm.s32 $0x2  }
0x8: {  	[tilespmem:s2], [sflag:$0x2] =	stream.linear.gather [hbm4b:s4+s2], $0x60, $0x38;
	[tilespmem:$0x3080] =	vst v63  }
0x9: {  	s10 =	smul.u32 $0x600, s7;
	s12 =	sshrl.u32 s11, $0x1;
	_ =	swait.ge [sflag:s3], $0x60  }
0xa: {  	s7 =	simm.s32 $0x80;
	s31 =	ssub.s32 s11, s12;
	[sflag:s3] =	ssyncset.done $0x0  }
0xb: {  	s9 =	sadd.s32 s10, s9;
	s10 =	smax.u32 s31, $0x1;
	[sflag:s3] =	ssyncadd.s32 $0xFFFFFFA0  }
0xc: {  	[tilespmem:s7], [sflag:$0x1] =	stream.indirect.gather [hbm4b:s5+s6], $0x80, s2, s6, $0xb8;
	[tilespmem:$0x3080] =	vst v63  }
0xd: {  	p0 =	sne.s32 s10, $0x1;
	_ =	swait.ge [sflag:s8], $0x3000  }
.Ltmp0:
0xe: {  	[sflag:s8] =	ssyncset.done $0x0;
	(pc) =	sbr.rel @!p0 .LBB2_2-.Ltmp0, $4  }
0xf: {  	s9 =	sadd.s32 $0x2200, s9;
	[sflag:s8] =	ssyncadd.s32 $0xFFFFD000  }
0x10: {  	[hbm4b:s9+s2] =	stream.linear.scatter [tilespmem:s7], [sflag:$0x2], $0x3000, $0x38;
	[tilespmem:$0x3080] =	vst v63  }
0x11: {  	_ =	swait.ge [sflag:s3], $0x3000  }
0x12: {  	s10 =	sadd.s32 $0xFFFFFFFF, s10;
	[sflag:s3] =	ssyncset.done $0x0  }
.LBB2_1:
0x13: {  	p0 =	sne.s32 s10, $0x1;
	s10 =	sadd.s32 $0xFFFFFFFF, s10;
	[sflag:s3] =	ssyncadd.s32 $0xFFFFD000  }
0x14: {  	[tilespmem:s2], [sflag:$0x2] =	stream.linear.gather [hbm4b:s4+s2], $0x60, $0x38;
	[tilespmem:$0x3080] =	vst v63  }
0x15: {  	_ =	swait.ge [sflag:s3], $0x60  }
0x16: {  	[sflag:s3] =	ssyncset.done $0x0  }
0x17: {  	[sflag:s3] =	ssyncadd.s32 $0xFFFFFFA0  }
0x18: {  	[tilespmem:s7], [sflag:$0x1] =	stream.indirect.gather [hbm4b:s5+s6], $0x80, s2, s6, $0xb8;
	[tilespmem:$0x3080] =	vst v63  }
0x19: {  	_ =	swait.ge [sflag:s8], $0x3000  }
.Ltmp1:
0x1a: {  	[sflag:s8] =	ssyncset.done $0x0;
	(pc) =	sbr.rel @p0 .LBB2_1-.Ltmp1, $4  }
0x1b: {  	[sflag:s8] =	ssyncadd.s32 $0xFFFFD000  }
0x1c: {  	[hbm4b:s9+s2] =	stream.linear.scatter [tilespmem:s7], [sflag:$0x2], $0x3000, $0x38;
	[tilespmem:$0x3080] =	vst v63  }
0x1d: {  	_ =	swait.ge [sflag:s3], $0x3000  }
0x1e: {  	[sflag:s3] =	ssyncset.done $0x0  }
.LBB2_2:
0x1f: {  	[sflag:s3] =	ssyncadd.s32 $0xFFFFD000  }
0x20: {  	_ =	sfence.sel $0x180000  }
0x21: {  	[bflag:$0x0] =	sbarrier.arrive $0xFFFF  }
0x22: {  	p0 =	sne.s32 s0, $0x0;
	_ =	strace $0x90000047  }
0x23: {  	s0 =	sadd.s32 @!p0 $0x100000, s1;
	[bflag:$0x2] =	sbarrier.arrive $0xFFFF  }
0x24: {  	[sflag:s0] =	ssyncadd.tile.s32 @!p0 $0x1;
	_ =	shalt  }
.Lfunc_end2:
_tile_overlayer_lowered:
.L_overlay_start_2:
0x25: {  	(tag) =	ssettag $0x2  }
0x26: {  	s0 =	rddreg [dreg:$0x0];
	s2 =	stileid.u32  }
0x27: {  	s1 =	rddreg [dreg:$0x1];
	p0 =	sne.s32 s2, $0x0  }
0x28: {  	s3 =	rddreg [dreg:$0x2];
	[bflag:$0x3] =	sbarrier.arrive $0xFFFF;
	s2 =	simm.s32 @!p0 $0x1C02  }
0x29: {  	[timem:s3], [sflag:s2] =	dma.local @!p0 [hbm:s0], s1  }
0x2a: {  	s0 =	simm.s32 @!p0 $0x2  }
0x2b: {  	_ =	swait.ge @!p0 [sflag:s0], s1  }
0x2c: {  	s1 =	ssub.s32 @!p0 $0x0, s1;
	[sflag:s0] =	ssyncset.done @!p0 $0x0  }
0x2d: {  	[sflag:s0] =	ssyncadd.s32 @!p0 s1  }
0x2e: {  	[bflag:$0x3] =	sbarrier.arrive $0xFFFF  }
0x2f: {  	_ =	shalt  }

</sc_bundles>
